<compile_context>
chip_gen: v7x
topology: tpu7x:2x2x1
jax: 0.10.2.dev20260603
libtpu: 0.0.44.dev20260713+nightly
codegen_flags: <defaults>
</compile_context>

<pallas_src>
import functools

import jax
import jax.numpy as jnp
import numpy as np
from jax import lax
from jax.experimental import pallas as pl
from jax.experimental.pallas import tpu as pltpu
from jax.experimental.pallas import tpu_sc as plsc

_INPUT_W = 800.0
_INPUT_H = 320.0
_ROI_R = 16.0
_N_IMGS = 8
_LANES_PER_IMG = 2
_N_LANES = _N_IMGS * _LANES_PER_IMG
_RAW_PTS = 72
_SPARSE_PTS = 180
_NEG_RATE = 320
_N_CENTERS = _N_LANES * _NEG_RATE
_CPI = _LANES_PER_IMG * _NEG_RATE
_PPI = _LANES_PER_IMG * _SPARSE_PTS
_FEAT_H = 40
_FEAT_W = 100
_NPIX = _FEAT_H * _FEAT_W
_STRIDE = 8.0
_C_FEAT = 128

_NWORK = 16
_CPW = _N_CENTERS // _NWORK


def _interp_matrix() -> np.ndarray:
    pos = np.linspace(0.0, float(_RAW_PTS - 1), _SPARSE_PTS)
    i0 = np.clip(np.floor(pos).astype(np.int64), 0, _RAW_PTS - 2)
    i1 = i0 + 1
    w = (pos - i0).astype(np.float64)
    m = np.zeros((_SPARSE_PTS, _RAW_PTS), np.float64)
    m[np.arange(_SPARSE_PTS), i0] += 1.0 - w
    m[np.arange(_SPARSE_PTS), i1] += w
    return m.astype(np.float32)


_INTERP_W = _interp_matrix()
_SQRT2R = np.float32(np.sqrt(2.0) * _ROI_R)
_SQ_LO = np.float32(512.0)
_SQ_HI = np.nextafter(np.float32(16900.0), np.float32(0.0))
_HI = functools.partial(jnp.dot, preferred_element_type=jnp.float32,
                        precision=lax.Precision.HIGHEST)


def _tc_body(w_ref, t_ref, cxf_ref, cyf_ref, feat_ref, wt_ref, b_ref,
             sel_ref, pix_ref, ce_ref):
    w = w_ref[...]
    cxf = cxf_ref[...] * _INPUT_W
    cyf = cyf_ref[...] * _INPUT_H
    pmats, p2s = [], []
    for i in range(_N_IMGS):
        g = _HI(w, t_ref[i])
        px = jnp.concatenate([g[:, 0:1], g[:, 2:3]], axis=0) * _INPUT_W
        py = jnp.concatenate([g[:, 1:2], g[:, 3:4]], axis=0) * _INPUT_H
        pmats.append(jnp.concatenate([px, py], axis=1))
        p2s.append(px * px + py * py)
    p_big = jnp.concatenate(pmats, axis=1)
    rowi = lax.broadcasted_iota(jnp.int32, (2 * _N_IMGS, _N_CENTERS), 0)
    coli = lax.broadcasted_iota(jnp.int32, (2 * _N_IMGS, _N_CENTERS), 1)
    img_match = (rowi // 2) == (coli // _CPI)
    even = (rowi % 2) == 0
    c_big = jnp.where(even, jnp.broadcast_to(cxf, rowi.shape),
                      jnp.broadcast_to(cyf, rowi.shape))
    c_big = c_big * img_match.astype(jnp.float32)
    mm = jnp.dot(p_big, c_big,
                 preferred_element_type=jnp.float32)
    for i in range(_N_IMGS):
        sl = slice(i * _CPI, (i + 1) * _CPI)
        cx = cxf[:, sl]
        cy = cyf[:, sl]
        c2 = cx * cx + cy * cy
        d2 = c2 + p2s[i] - 2.0 * mm[:, sl]
        md = jnp.maximum(jnp.min(d2, axis=0, keepdims=True), 0.0) + 1e-12
        x1 = cx - _ROI_R
        y1 = cy - _ROI_R
        x2 = cx + _ROI_R
        y2 = cy + _ROI_R
        valid = ((x1 > 0) & (x1 < _INPUT_W) & (y1 >= 0) & (y1 < _INPUT_H)
                 & (x2 >= 0) & (x2 < _INPUT_W) & (y2 >= 0) & (y2 < _INPUT_H))
        selected = valid & (md < _SQ_HI) & (md > _SQ_LO)
        sel_ref[i:i + 1, :] = selected.astype(jnp.float32)
        ix = jnp.clip(jnp.floor(cx / _STRIDE), 0, _FEAT_W - 1).astype(jnp.int32)
        iy = jnp.clip(jnp.floor(cy / _STRIDE), 0, _FEAT_H - 1).astype(jnp.int32)
        pix_ref[i:i + 1, :] = iy * _FEAT_W + ix
    logits = jnp.dot(wt_ref[...], feat_ref[...],
                     preferred_element_type=jnp.float32)
    l0 = logits[0:1, :] + b_ref[0:1, 0:1]
    l1 = logits[1:2, :] + b_ref[1:2, 0:1]
    m = jnp.maximum(l0, l1)
    ce_ref[...] = m + jnp.log(jnp.exp(l0 - m) + jnp.exp(l1 - m)) - l0


def _tc_stage(t_all, cx, cy, feat, wt, b2):
    interp_w = jnp.asarray(_INTERP_W)
    return pl.pallas_call(
        _tc_body,
        out_shape=[
            jax.ShapeDtypeStruct((_N_IMGS, _CPI), jnp.float32),
            jax.ShapeDtypeStruct((_N_IMGS, _CPI), jnp.int32),
            jax.ShapeDtypeStruct((1, _NPIX), jnp.float32),
        ],
    )(interp_w, t_all, cx, cy, feat, wt, b2)


def _sc_body(ce_hbm, pix_hbm, sel_hbm, num_hbm, den_hbm,
             ce_v, pix_v, sel_v, num_v, den_v):
    wid = lax.axis_index("s")
    base = wid * _CPW
    pltpu.sync_copy(ce_hbm, ce_v)
    pltpu.sync_copy(pix_hbm.at[pl.ds(base, _CPW)], pix_v)
    pltpu.sync_copy(sel_hbm.at[pl.ds(base, _CPW)], sel_v)
    num = jnp.zeros((16,), jnp.float32)
    den = jnp.zeros((16,), jnp.float32)
    for j in range(_CPW // 16):
        idx = pix_v[pl.ds(j * 16, 16)]
        sv = sel_v[pl.ds(j * 16, 16)]
        ce = plsc.load_gather(ce_v, [idx])
        num = num + ce * sv
        den = den + sv
    num_v[...] = num
    den_v[...] = den
    pltpu.sync_copy(num_v, num_hbm.at[wid])
    pltpu.sync_copy(den_v, den_hbm.at[wid])


@functools.lru_cache(maxsize=1)
def _sc_stage():
    return pl.kernel(
        _sc_body,
        out_type=[
            jax.ShapeDtypeStruct((_NWORK, 16), jnp.float32),
            jax.ShapeDtypeStruct((_NWORK, 16), jnp.float32),
        ],
        mesh=plsc.VectorSubcoreMesh(core_axis_name="c", subcore_axis_name="s",
                                    num_cores=1),
        compiler_params=pltpu.CompilerParams(needs_layout_passes=False),
        scratch_types=[
            pltpu.VMEM((_NPIX,), jnp.float32),
            pltpu.VMEM((_CPW,), jnp.int32),
            pltpu.VMEM((_CPW,), jnp.float32),
            pltpu.VMEM((16,), jnp.float32),
            pltpu.VMEM((16,), jnp.float32),
        ],
    )


def kernel(tgt_points, centers_unit, encoded_feature, W_cls, b_cls):
    t_all = (tgt_points.reshape(_N_IMGS, _LANES_PER_IMG, _RAW_PTS, 2)
             .transpose(0, 2, 1, 3).reshape(_N_IMGS, _RAW_PTS, 4))
    cx = centers_unit[:, 0].reshape(1, _N_CENTERS)
    cy = centers_unit[:, 1].reshape(1, _N_CENTERS)
    feat = encoded_feature.reshape(_C_FEAT, _NPIX)
    wt = W_cls.T
    b2 = b_cls.reshape(2, 1)

    sel, pix, ce_map = _tc_stage(t_all, cx, cy, feat, wt, b2)

    num_p, den_p = _sc_stage()(ce_map.reshape(_NPIX),
                               pix.reshape(_N_CENTERS),
                               sel.reshape(_N_CENTERS))
    return jnp.sum(num_p) / jnp.maximum(jnp.sum(den_p), 1.0)

# --- scband reference (transcript-rebuilt; emitter-appended) ---
"""Pipeline reference for scband-loss-point-only-neg-27066883899872 (READ-ONLY COPY).

The authoritative reference and input builder live on the scoring server;
editing this copy changes nothing except your own understanding.
"""

import jax, jax.numpy as jnp
import numpy as np

INPUT_W = 800.0
INPUT_H = 320.0
ROI_R = 16.0
N_IMGS = 8
LANES_PER_IMG = 2
N_LANES = N_IMGS * LANES_PER_IMG
RAW_PTS = 72
SPARSE_PTS = 180
NEG_RATE = 320
N_CENTERS = N_LANES * NEG_RATE
FEAT_H = 40
FEAT_W = 100
STRIDE = 8.0
C_FEAT = 128


def _interp_lanes(pts, out_len):
    # linear interpolation along the point axis, align_corners=True semantics
    n_in = pts.shape[1]
    pos = jnp.linspace(0.0, float(n_in - 1), out_len)
    i0 = jnp.clip(jnp.floor(pos).astype(jnp.int32), 0, n_in - 2)
    i1 = i0 + 1
    w = (pos - i0.astype(jnp.float32))[None, :, None]
    return pts[:, i0, :] * (1.0 - w) + pts[:, i1, :] * w


def setup_inputs(seed: int = 0) -> dict:
    key = jax.random.key(seed)
    k1, k2, k3, k4 = jax.random.split(key, 4)
    tgt_points = jax.random.uniform(k1, (N_LANES, RAW_PTS, 2), dtype=jnp.float32)
    centers_unit = jax.random.uniform(k2, (N_CENTERS, 2), dtype=jnp.float32)
    encoded_feature = jax.random.normal(k3, (C_FEAT, FEAT_H, FEAT_W), dtype=jnp.float32)
    W_cls = jax.random.normal(k4, (C_FEAT, 2), dtype=jnp.float32) * 0.02
    b_cls = jnp.zeros((2,), dtype=jnp.float32)
    return {"tgt_points": tgt_points, "centers_unit": centers_unit,
            "encoded_feature": encoded_feature, "W_cls": W_cls, "b_cls": b_cls}


def reference(tgt_points, centers_unit, encoded_feature, W_cls, b_cls):
    scale = jnp.array([INPUT_W, INPUT_H], dtype=jnp.float32)
    # ---- get_gt: interpolate lane points to 180 sparse points (normalized coords)
    gt_sparse = _interp_lanes(tgt_points, SPARSE_PTS)  # [n_lanes, 180, 2]
    lane_img = jnp.repeat(jnp.arange(N_IMGS, dtype=jnp.int32), LANES_PER_IMG)  # [n_lanes]
    pt_img = jnp.repeat(lane_img, SPARSE_PTS)  # [n_lanes*180]
    # ---- get_neg_bbox: random centers -> boxes of radius r, validity filter
    centers = centers_unit * scale[None, :]  # pixel coords [N, 2]
    center_img = jnp.repeat(lane_img, NEG_RATE)  # [N]
    r = ROI_R
    x1 = centers[:, 0] - r
    y1 = centers[:, 1] - r
    x2 = centers[:, 0] + r
    y2 = centers[:, 1] + r
    valid = ((x1 > 0) & (x1 < INPUT_W) & (y1 >= 0) & (y1 < INPUT_H)
             & (x2 >= 0) & (x2 < INPUT_W) & (y2 >= 0) & (y2 < INPUT_H))
    # ---- pairwise distance of every valid center to gt points of the same image
    gp = gt_sparse.reshape(-1, 2) * scale[None, :]  # [P, 2] pixel coords
    c2 = jnp.sum(centers * centers, axis=-1, keepdims=True)   # [N, 1]
    p2 = jnp.sum(gp * gp, axis=-1)[None, :]                   # [1, P]
    d2 = jnp.maximum(c2 + p2 - 2.0 * (centers @ gp.T), 0.0)    # [N, P]
    dist = jnp.sqrt(d2 + 1e-12)
    same = center_img[:, None] == pt_img[None, :]
    dist = jnp.where(same, dist, jnp.inf)
    min_dist = jnp.min(dist, axis=-1)
    selected = valid & (min_dist < 130.0) & (min_dist > jnp.sqrt(2.0) * r)
    # ---- Net(encoded_feature, boxes): center-point feature gather + linear head
    ix = jax.lax.stop_gradient(
        jnp.clip(jnp.floor(centers[:, 0] / STRIDE), 0, FEAT_W - 1)).astype(jnp.int32)
    iy = jax.lax.stop_gradient(
        jnp.clip(jnp.floor(centers[:, 1] / STRIDE), 0, FEAT_H - 1)).astype(jnp.int32)
    feats = encoded_feature[:, iy, ix].T  # [N, C]
    logits = feats @ W_cls + b_cls[None, :]  # pr_confidence_Neg
    # ---- cross entropy against all-zero (negative) labels, mean over selected
    ce = jax.nn.logsumexp(logits, axis=-1) - logits[:, 0]
    sel_f = selected.astype(jnp.float32)
    loss = jnp.sum(ce * sel_f) / jnp.maximum(jnp.sum(sel_f), 1.0)
    return loss

if __name__ == "__main__":
    import jax
    _d = setup_inputs()
    print(jax.jit(kernel)(*tuple(_d.values())))

</pallas_src>

<mosaic_0001>
#map = affine_map<(d0, d1) -> (0)>
#map1 = affine_map<(d0, d1) -> (0, 0)>
module attributes {stable_mosaic.version = 14 : i64} {
  func.func @_sc_body(%arg0: i32, %arg1: i32, %arg2: memref<4000xf32, #tpu.memory_space<hbm>>, %arg3: memref<5120xi32, #tpu.memory_space<hbm>>, %arg4: memref<5120xf32, #tpu.memory_space<hbm>>, %arg5: memref<16x16xf32, #tpu.memory_space<hbm>>, %arg6: memref<16x16xf32, #tpu.memory_space<hbm>>, %arg7: memref<4000xf32, #tpu.memory_space<vmem>>, %arg8: memref<320xi32, #tpu.memory_space<vmem>>, %arg9: memref<320xf32, #tpu.memory_space<vmem>>, %arg10: memref<16xf32, #tpu.memory_space<vmem>>, %arg11: memref<16xf32, #tpu.memory_space<vmem>>) attributes {dimension_semantics = [#tpu.dimension_semantics<core_parallel>, #tpu.dimension_semantics<subcore_parallel>], iteration_bounds = array<i64: 1, 16>, scalar_prefetch = 0 : i64, scratch_operands = 5 : i64, tpu.core_type = #tpu.core_type<sc_vector_subcore>, window_params = [{transform_indices = #map}, {transform_indices = #map}, {transform_indices = #map}, {transform_indices = #map1}, {transform_indices = #map1}]} {
    %mul3A = arith.constant 320 : i32
    %mul3A_0 = arith.muli %arg1, %mul3A : i32
    "tpu.region"() ({
      %run_scoped3A = tpu.sem_alloc : memref<!tpu.dma_semaphore, #tpu.memory_space<semaphore_mem>>
      tpu.enqueue_dma source(%arg2 : memref<4000xf32, #tpu.memory_space<hbm>>) target(%arg7 : memref<4000xf32, #tpu.memory_space<vmem>>) target_semaphore(%run_scoped3A : memref<!tpu.dma_semaphore, #tpu.memory_space<semaphore_mem>>)
      tpu.wait_dma2 semaphore(%run_scoped3A : memref<!tpu.dma_semaphore, #tpu.memory_space<semaphore_mem>>) src(%arg2 : memref<4000xf32, #tpu.memory_space<hbm>>) dst(%arg7 : memref<4000xf32, #tpu.memory_space<vmem>>)
      tpu.yield
    }) : () -> ()
    "tpu.region"() ({
      %run_scoped3A = tpu.sem_alloc : memref<!tpu.dma_semaphore, #tpu.memory_space<semaphore_mem>>
      %dma_start3A = tpu.memref_slice %arg3[%mul3A_0] : memref<5120xi32, #tpu.memory_space<hbm>> -> memref<320xi32, #tpu.memory_space<hbm>>
      %dma_start3A_164 = tpu.memref_slice %arg3[%mul3A_0] : memref<5120xi32, #tpu.memory_space<hbm>> -> memref<320xi32, #tpu.memory_space<hbm>>
      tpu.enqueue_dma source(%dma_start3A_164 : memref<320xi32, #tpu.memory_space<hbm>>) target(%arg8 : memref<320xi32, #tpu.memory_space<vmem>>) target_semaphore(%run_scoped3A : memref<!tpu.dma_semaphore, #tpu.memory_space<semaphore_mem>>)
      %dma_wait3A = tpu.memref_slice %arg3[%mul3A_0] : memref<5120xi32, #tpu.memory_space<hbm>> -> memref<320xi32, #tpu.memory_space<hbm>>
      %dma_wait3A_165 = tpu.memref_slice %arg3[%mul3A_0] : memref<5120xi32, #tpu.memory_space<hbm>> -> memref<320xi32, #tpu.memory_space<hbm>>
      tpu.wait_dma2 semaphore(%run_scoped3A : memref<!tpu.dma_semaphore, #tpu.memory_space<semaphore_mem>>) src(%dma_wait3A_165 : memref<320xi32, #tpu.memory_space<hbm>>) dst(%arg8 : memref<320xi32, #tpu.memory_space<vmem>>)
      tpu.yield
    }) : () -> ()
    "tpu.region"() ({
      %run_scoped3A = tpu.sem_alloc : memref<!tpu.dma_semaphore, #tpu.memory_space<semaphore_mem>>
      %dma_start3A = tpu.memref_slice %arg4[%mul3A_0] : memref<5120xf32, #tpu.memory_space<hbm>> -> memref<320xf32, #tpu.memory_space<hbm>>
      %dma_start3A_164 = tpu.memref_slice %arg4[%mul3A_0] : memref<5120xf32, #tpu.memory_space<hbm>> -> memref<320xf32, #tpu.memory_space<hbm>>
      tpu.enqueue_dma source(%dma_start3A_164 : memref<320xf32, #tpu.memory_space<hbm>>) target(%arg9 : memref<320xf32, #tpu.memory_space<vmem>>) target_semaphore(%run_scoped3A : memref<!tpu.dma_semaphore, #tpu.memory_space<semaphore_mem>>)
      %dma_wait3A = tpu.memref_slice %arg4[%mul3A_0] : memref<5120xf32, #tpu.memory_space<hbm>> -> memref<320xf32, #tpu.memory_space<hbm>>
      %dma_wait3A_165 = tpu.memref_slice %arg4[%mul3A_0] : memref<5120xf32, #tpu.memory_space<hbm>> -> memref<320xf32, #tpu.memory_space<hbm>>
      tpu.wait_dma2 semaphore(%run_scoped3A : memref<!tpu.dma_semaphore, #tpu.memory_space<semaphore_mem>>) src(%dma_wait3A_165 : memref<320xf32, #tpu.memory_space<hbm>>) dst(%arg9 : memref<320xf32, #tpu.memory_space<vmem>>)
      tpu.yield
    }) : () -> ()
    %broadcast_in_dim3A = arith.constant 0.000000e+00 : f32
    %broadcast_in_dim3A_1 = vector.broadcast %broadcast_in_dim3A : f32 to vector<16xf32>
    %broadcast_in_dim3A_2 = arith.constant 0.000000e+00 : f32
    %broadcast_in_dim3A_3 = vector.broadcast %broadcast_in_dim3A_2 : f32 to vector<16xf32>
    %get3A = arith.constant 0 : index
    %get3A_4 = tpu.vector_load %arg8[%get3A] {strides = array<i32>} : memref<320xi32, #tpu.memory_space<vmem>>, vector<16xi32>,
    %get3A_5 = arith.constant 0 : index
    %get3A_6 = tpu.vector_load %arg9[%get3A_5] {strides = array<i32>} : memref<320xf32, #tpu.memory_space<vmem>>, vector<16xf32>,
    %gather3A = tpu.vector_load_idx %arg7[%get3A_4] : memref<4000xf32, #tpu.memory_space<vmem>>[vector<16xi32>], vector<16xf32>,
    %mul3A_7 = arith.mulf %gather3A, %get3A_6 : vector<16xf32>
    %add3A = arith.addf %broadcast_in_dim3A_1, %mul3A_7 : vector<16xf32>
    %add3A_8 = arith.addf %broadcast_in_dim3A_3, %get3A_6 : vector<16xf32>
    %get3A_9 = arith.constant 16 : index
    %get3A_10 = tpu.vector_load %arg8[%get3A_9] {strides = array<i32>} : memref<320xi32, #tpu.memory_space<vmem>>, vector<16xi32>,
    %get3A_11 = arith.constant 16 : index
    %get3A_12 = tpu.vector_load %arg9[%get3A_11] {strides = array<i32>} : memref<320xf32, #tpu.memory_space<vmem>>, vector<16xf32>,
    %gather3A_13 = tpu.vector_load_idx %arg7[%get3A_10] : memref<4000xf32, #tpu.memory_space<vmem>>[vector<16xi32>], vector<16xf32>,
    %mul3A_14 = arith.mulf %gather3A_13, %get3A_12 : vector<16xf32>
    %add3A_15 = arith.addf %add3A, %mul3A_14 : vector<16xf32>
    %add3A_16 = arith.addf %add3A_8, %get3A_12 : vector<16xf32>
    %get3A_17 = arith.constant 32 : index
    %get3A_18 = tpu.vector_load %arg8[%get3A_17] {strides = array<i32>} : memref<320xi32, #tpu.memory_space<vmem>>, vector<16xi32>,
    %get3A_19 = arith.constant 32 : index
    %get3A_20 = tpu.vector_load %arg9[%get3A_19] {strides = array<i32>} : memref<320xf32, #tpu.memory_space<vmem>>, vector<16xf32>,
    %gather3A_21 = tpu.vector_load_idx %arg7[%get3A_18] : memref<4000xf32, #tpu.memory_space<vmem>>[vector<16xi32>], vector<16xf32>,
    %mul3A_22 = arith.mulf %gather3A_21, %get3A_20 : vector<16xf32>
    %add3A_23 = arith.addf %add3A_15, %mul3A_22 : vector<16xf32>
    %add3A_24 = arith.addf %add3A_16, %get3A_20 : vector<16xf32>
    %get3A_25 = arith.constant 48 : index
    %get3A_26 = tpu.vector_load %arg8[%get3A_25] {strides = array<i32>} : memref<320xi32, #tpu.memory_space<vmem>>, vector<16xi32>,
    %get3A_27 = arith.constant 48 : index
    %get3A_28 = tpu.vector_load %arg9[%get3A_27] {strides = array<i32>} : memref<320xf32, #tpu.memory_space<vmem>>, vector<16xf32>,
    %gather3A_29 = tpu.vector_load_idx %arg7[%get3A_26] : memref<4000xf32, #tpu.memory_space<vmem>>[vector<16xi32>], vector<16xf32>,
    %mul3A_30 = arith.mulf %gather3A_29, %get3A_28 : vector<16xf32>
    %add3A_31 = arith.addf %add3A_23, %mul3A_30 : vector<16xf32>
    %add3A_32 = arith.addf %add3A_24, %get3A_28 : vector<16xf32>
    %get3A_33 = arith.constant 64 : index
    %get3A_34 = tpu.vector_load %arg8[%get3A_33] {strides = array<i32>} : memref<320xi32, #tpu.memory_space<vmem>>, vector<16xi32>,
    %get3A_35 = arith.constant 64 : index
    %get3A_36 = tpu.vector_load %arg9[%get3A_35] {strides = array<i32>} : memref<320xf32, #tpu.memory_space<vmem>>, vector<16xf32>,
    %gather3A_37 = tpu.vector_load_idx %arg7[%get3A_34] : memref<4000xf32, #tpu.memory_space<vmem>>[vector<16xi32>], vector<16xf32>,
    %mul3A_38 = arith.mulf %gather3A_37, %get3A_36 : vector<16xf32>
    %add3A_39 = arith.addf %add3A_31, %mul3A_38 : vector<16xf32>
    %add3A_40 = arith.addf %add3A_32, %get3A_36 : vector<16xf32>
    %get3A_41 = arith.constant 80 : index
    %get3A_42 = tpu.vector_load %arg8[%get3A_41] {strides = array<i32>} : memref<320xi32, #tpu.memory_space<vmem>>, vector<16xi32>,
    %get3A_43 = arith.constant 80 : index
    %get3A_44 = tpu.vector_load %arg9[%get3A_43] {strides = array<i32>} : memref<320xf32, #tpu.memory_space<vmem>>, vector<16xf32>,
    %gather3A_45 = tpu.vector_load_idx %arg7[%get3A_42] : memref<4000xf32, #tpu.memory_space<vmem>>[vector<16xi32>], vector<16xf32>,
    %mul3A_46 = arith.mulf %gather3A_45, %get3A_44 : vector<16xf32>
    %add3A_47 = arith.addf %add3A_39, %mul3A_46 : vector<16xf32>
    %add3A_48 = arith.addf %add3A_40, %get3A_44 : vector<16xf32>
    %get3A_49 = arith.constant 96 : index
    %get3A_50 = tpu.vector_load %arg8[%get3A_49] {strides = array<i32>} : memref<320xi32, #tpu.memory_space<vmem>>, vector<16xi32>,
    %get3A_51 = arith.constant 96 : index
    %get3A_52 = tpu.vector_load %arg9[%get3A_51] {strides = array<i32>} : memref<320xf32, #tpu.memory_space<vmem>>, vector<16xf32>,
    %gather3A_53 = tpu.vector_load_idx %arg7[%get3A_50] : memref<4000xf32, #tpu.memory_space<vmem>>[vector<16xi32>], vector<16xf32>,
    %mul3A_54 = arith.mulf %gather3A_53, %get3A_52 : vector<16xf32>
    %add3A_55 = arith.addf %add3A_47, %mul3A_54 : vector<16xf32>
    %add3A_56 = arith.addf %add3A_48, %get3A_52 : vector<16xf32>
    %get3A_57 = arith.constant 112 : index
    %get3A_58 = tpu.vector_load %arg8[%get3A_57] {strides = array<i32>} : memref<320xi32, #tpu.memory_space<vmem>>, vector<16xi32>,
    %get3A_59 = arith.constant 112 : index
    %get3A_60 = tpu.vector_load %arg9[%get3A_59] {strides = array<i32>} : memref<320xf32, #tpu.memory_space<vmem>>, vector<16xf32>,
    %gather3A_61 = tpu.vector_load_idx %arg7[%get3A_58] : memref<4000xf32, #tpu.memory_space<vmem>>[vector<16xi32>], vector<16xf32>,
    %mul3A_62 = arith.mulf %gather3A_61, %get3A_60 : vector<16xf32>
    %add3A_63 = arith.addf %add3A_55, %mul3A_62 : vector<16xf32>
    %add3A_64 = arith.addf %add3A_56, %get3A_60 : vector<16xf32>
    %get3A_65 = arith.constant 128 : index
    %get3A_66 = tpu.vector_load %arg8[%get3A_65] {strides = array<i32>} : memref<320xi32, #tpu.memory_space<vmem>>, vector<16xi32>,
    %get3A_67 = arith.constant 128 : index
    %get3A_68 = tpu.vector_load %arg9[%get3A_67] {strides = array<i32>} : memref<320xf32, #tpu.memory_space<vmem>>, vector<16xf32>,
    %gather3A_69 = tpu.vector_load_idx %arg7[%get3A_66] : memref<4000xf32, #tpu.memory_space<vmem>>[vector<16xi32>], vector<16xf32>,
    %mul3A_70 = arith.mulf %gather3A_69, %get3A_68 : vector<16xf32>
    %add3A_71 = arith.addf %add3A_63, %mul3A_70 : vector<16xf32>
    %add3A_72 = arith.addf %add3A_64, %get3A_68 : vector<16xf32>
    %get3A_73 = arith.constant 144 : index
    %get3A_74 = tpu.vector_load %arg8[%get3A_73] {strides = array<i32>} : memref<320xi32, #tpu.memory_space<vmem>>, vector<16xi32>,
    %get3A_75 = arith.constant 144 : index
    %get3A_76 = tpu.vector_load %arg9[%get3A_75] {strides = array<i32>} : memref<320xf32, #tpu.memory_space<vmem>>, vector<16xf32>,
    %gather3A_77 = tpu.vector_load_idx %arg7[%get3A_74] : memref<4000xf32, #tpu.memory_space<vmem>>[vector<16xi32>], vector<16xf32>,
    %mul3A_78 = arith.mulf %gather3A_77, %get3A_76 : vector<16xf32>
    %add3A_79 = arith.addf %add3A_71, %mul3A_78 : vector<16xf32>
    %add3A_80 = arith.addf %add3A_72, %get3A_76 : vector<16xf32>
    %get3A_81 = arith.constant 160 : index
    %get3A_82 = tpu.vector_load %arg8[%get3A_81] {strides = array<i32>} : memref<320xi32, #tpu.memory_space<vmem>>, vector<16xi32>,
    %get3A_83 = arith.constant 160 : index
    %get3A_84 = tpu.vector_load %arg9[%get3A_83] {strides = array<i32>} : memref<320xf32, #tpu.memory_space<vmem>>, vector<16xf32>,
    %gather3A_85 = tpu.vector_load_idx %arg7[%get3A_82] : memref<4000xf32, #tpu.memory_space<vmem>>[vector<16xi32>], vector<16xf32>,
    %mul3A_86 = arith.mulf %gather3A_85, %get3A_84 : vector<16xf32>
    %add3A_87 = arith.addf %add3A_79, %mul3A_86 : vector<16xf32>
    %add3A_88 = arith.addf %add3A_80, %get3A_84 : vector<16xf32>
    %get3A_89 = arith.constant 176 : index
    %get3A_90 = tpu.vector_load %arg8[%get3A_89] {strides = array<i32>} : memref<320xi32, #tpu.memory_space<vmem>>, vector<16xi32>,
    %get3A_91 = arith.constant 176 : index
    %get3A_92 = tpu.vector_load %arg9[%get3A_91] {strides = array<i32>} : memref<320xf32, #tpu.memory_space<vmem>>, vector<16xf32>,
    %gather3A_93 = tpu.vector_load_idx %arg7[%get3A_90] : memref<4000xf32, #tpu.memory_space<vmem>>[vector<16xi32>], vector<16xf32>,
    %mul3A_94 = arith.mulf %gather3A_93, %get3A_92 : vector<16xf32>
    %add3A_95 = arith.addf %add3A_87, %mul3A_94 : vector<16xf32>
    %add3A_96 = arith.addf %add3A_88, %get3A_92 : vector<16xf32>
    %get3A_97 = arith.constant 192 : index
    %get3A_98 = tpu.vector_load %arg8[%get3A_97] {strides = array<i32>} : memref<320xi32, #tpu.memory_space<vmem>>, vector<16xi32>,
    %get3A_99 = arith.constant 192 : index
    %get3A_100 = tpu.vector_load %arg9[%get3A_99] {strides = array<i32>} : memref<320xf32, #tpu.memory_space<vmem>>, vector<16xf32>,
    %gather3A_101 = tpu.vector_load_idx %arg7[%get3A_98] : memref<4000xf32, #tpu.memory_space<vmem>>[vector<16xi32>], vector<16xf32>,
    %mul3A_102 = arith.mulf %gather3A_101, %get3A_100 : vector<16xf32>
    %add3A_103 = arith.addf %add3A_95, %mul3A_102 : vector<16xf32>
    %add3A_104 = arith.addf %add3A_96, %get3A_100 : vector<16xf32>
    %get3A_105 = arith.constant 208 : index
    %get3A_106 = tpu.vector_load %arg8[%get3A_105] {strides = array<i32>} : memref<320xi32, #tpu.memory_space<vmem>>, vector<16xi32>,
    %get3A_107 = arith.constant 208 : index
    %get3A_108 = tpu.vector_load %arg9[%get3A_107] {strides = array<i32>} : memref<320xf32, #tpu.memory_space<vmem>>, vector<16xf32>,
    %gather3A_109 = tpu.vector_load_idx %arg7[%get3A_106] : memref<4000xf32, #tpu.memory_space<vmem>>[vector<16xi32>], vector<16xf32>,
    %mul3A_110 = arith.mulf %gather3A_109, %get3A_108 : vector<16xf32>
    %add3A_111 = arith.addf %add3A_103, %mul3A_110 : vector<16xf32>
    %add3A_112 = arith.addf %add3A_104, %get3A_108 : vector<16xf32>
    %get3A_113 = arith.constant 224 : index
    %get3A_114 = tpu.vector_load %arg8[%get3A_113] {strides = array<i32>} : memref<320xi32, #tpu.memory_space<vmem>>, vector<16xi32>,
    %get3A_115 = arith.constant 224 : index
    %get3A_116 = tpu.vector_load %arg9[%get3A_115] {strides = array<i32>} : memref<320xf32, #tpu.memory_space<vmem>>, vector<16xf32>,
    %gather3A_117 = tpu.vector_load_idx %arg7[%get3A_114] : memref<4000xf32, #tpu.memory_space<vmem>>[vector<16xi32>], vector<16xf32>,
    %mul3A_118 = arith.mulf %gather3A_117, %get3A_116 : vector<16xf32>
    %add3A_119 = arith.addf %add3A_111, %mul3A_118 : vector<16xf32>
    %add3A_120 = arith.addf %add3A_112, %get3A_116 : vector<16xf32>
    %get3A_121 = arith.constant 240 : index
    %get3A_122 = tpu.vector_load %arg8[%get3A_121] {strides = array<i32>} : memref<320xi32, #tpu.memory_space<vmem>>, vector<16xi32>,
    %get3A_123 = arith.constant 240 : index
    %get3A_124 = tpu.vector_load %arg9[%get3A_123] {strides = array<i32>} : memref<320xf32, #tpu.memory_space<vmem>>, vector<16xf32>,
    %gather3A_125 = tpu.vector_load_idx %arg7[%get3A_122] : memref<4000xf32, #tpu.memory_space<vmem>>[vector<16xi32>], vector<16xf32>,
    %mul3A_126 = arith.mulf %gather3A_125, %get3A_124 : vector<16xf32>
    %add3A_127 = arith.addf %add3A_119, %mul3A_126 : vector<16xf32>
    %add3A_128 = arith.addf %add3A_120, %get3A_124 : vector<16xf32>
    %get3A_129 = arith.constant 256 : index
    %get3A_130 = tpu.vector_load %arg8[%get3A_129] {strides = array<i32>} : memref<320xi32, #tpu.memory_space<vmem>>, vector<16xi32>,
    %get3A_131 = arith.constant 256 : index
    %get3A_132 = tpu.vector_load %arg9[%get3A_131] {strides = array<i32>} : memref<320xf32, #tpu.memory_space<vmem>>, vector<16xf32>,
    %gather3A_133 = tpu.vector_load_idx %arg7[%get3A_130] : memref<4000xf32, #tpu.memory_space<vmem>>[vector<16xi32>], vector<16xf32>,
    %mul3A_134 = arith.mulf %gather3A_133, %get3A_132 : vector<16xf32>
    %add3A_135 = arith.addf %add3A_127, %mul3A_134 : vector<16xf32>
    %add3A_136 = arith.addf %add3A_128, %get3A_132 : vector<16xf32>
    %get3A_137 = arith.constant 272 : index
    %get3A_138 = tpu.vector_load %arg8[%get3A_137] {strides = array<i32>} : memref<320xi32, #tpu.memory_space<vmem>>, vector<16xi32>,
    %get3A_139 = arith.constant 272 : index
    %get3A_140 = tpu.vector_load %arg9[%get3A_139] {strides = array<i32>} : memref<320xf32, #tpu.memory_space<vmem>>, vector<16xf32>,
    %gather3A_141 = tpu.vector_load_idx %arg7[%get3A_138] : memref<4000xf32, #tpu.memory_space<vmem>>[vector<16xi32>], vector<16xf32>,
    %mul3A_142 = arith.mulf %gather3A_141, %get3A_140 : vector<16xf32>
    %add3A_143 = arith.addf %add3A_135, %mul3A_142 : vector<16xf32>
    %add3A_144 = arith.addf %add3A_136, %get3A_140 : vector<16xf32>
    %get3A_145 = arith.constant 288 : index
    %get3A_146 = tpu.vector_load %arg8[%get3A_145] {strides = array<i32>} : memref<320xi32, #tpu.memory_space<vmem>>, vector<16xi32>,
    %get3A_147 = arith.constant 288 : index
    %get3A_148 = tpu.vector_load %arg9[%get3A_147] {strides = array<i32>} : memref<320xf32, #tpu.memory_space<vmem>>, vector<16xf32>,
    %gather3A_149 = tpu.vector_load_idx %arg7[%get3A_146] : memref<4000xf32, #tpu.memory_space<vmem>>[vector<16xi32>], vector<16xf32>,
    %mul3A_150 = arith.mulf %gather3A_149, %get3A_148 : vector<16xf32>
    %add3A_151 = arith.addf %add3A_143, %mul3A_150 : vector<16xf32>
    %add3A_152 = arith.addf %add3A_144, %get3A_148 : vector<16xf32>
    %get3A_153 = arith.constant 304 : index
    %get3A_154 = tpu.vector_load %arg8[%get3A_153] {strides = array<i32>} : memref<320xi32, #tpu.memory_space<vmem>>, vector<16xi32>,
    %get3A_155 = arith.constant 304 : index
    %get3A_156 = tpu.vector_load %arg9[%get3A_155] {strides = array<i32>} : memref<320xf32, #tpu.memory_space<vmem>>, vector<16xf32>,
    %gather3A_157 = tpu.vector_load_idx %arg7[%get3A_154] : memref<4000xf32, #tpu.memory_space<vmem>>[vector<16xi32>], vector<16xf32>,
    %mul3A_158 = arith.mulf %gather3A_157, %get3A_156 : vector<16xf32>
    %add3A_159 = arith.addf %add3A_151, %mul3A_158 : vector<16xf32>
    %add3A_160 = arith.addf %add3A_152, %get3A_156 : vector<16xf32>
    %swap3A = arith.constant 0 : index
    %swap3A_161 = tpu.vector_load %arg10[%swap3A] {strides = array<i32>} : memref<16xf32, #tpu.memory_space<vmem>>, vector<16xf32>,
    tpu.vector_store %arg10[%swap3A], %add3A_159 {strides = array<i32>} : memref<16xf32, #tpu.memory_space<vmem>>, vector<16xf32>,
    %swap3A_162 = arith.constant 0 : index
    %swap3A_163 = tpu.vector_load %arg11[%swap3A_162] {strides = array<i32>} : memref<16xf32, #tpu.memory_space<vmem>>, vector<16xf32>,
    tpu.vector_store %arg11[%swap3A_162], %add3A_160 {strides = array<i32>} : memref<16xf32, #tpu.memory_space<vmem>>, vector<16xf32>,
    "tpu.region"() ({
      %run_scoped3A = tpu.sem_alloc : memref<!tpu.dma_semaphore, #tpu.memory_space<semaphore_mem>>
      %dma_start3A = arith.constant 0 : i32
      %dma_start3A_164 = tpu.memref_slice %arg5[%arg1, %dma_start3A] : memref<16x16xf32, #tpu.memory_space<hbm>> -> memref<1x16xf32, #tpu.memory_space<hbm>>
      %dma_start3A_165 = tpu.memref_squeeze %dma_start3A_164 : memref<1x16xf32, #tpu.memory_space<hbm>> -> memref<16xf32, #tpu.memory_space<hbm>>
      %dma_start3A_166 = arith.constant 0 : i32
      %dma_start3A_167 = tpu.memref_slice %arg5[%arg1, %dma_start3A_166] : memref<16x16xf32, #tpu.memory_space<hbm>> -> memref<1x16xf32, #tpu.memory_space<hbm>>
      %dma_start3A_168 = tpu.memref_squeeze %dma_start3A_167 : memref<1x16xf32, #tpu.memory_space<hbm>> -> memref<16xf32, #tpu.memory_space<hbm>>
      tpu.enqueue_dma source(%arg10 : memref<16xf32, #tpu.memory_space<vmem>>) target(%dma_start3A_168 : memref<16xf32, #tpu.memory_space<hbm>>) target_semaphore(%run_scoped3A : memref<!tpu.dma_semaphore, #tpu.memory_space<semaphore_mem>>)
      %dma_wait3A = arith.constant 0 : i32
      %dma_wait3A_169 = tpu.memref_slice %arg5[%arg1, %dma_wait3A] : memref<16x16xf32, #tpu.memory_space<hbm>> -> memref<1x16xf32, #tpu.memory_space<hbm>>
      %dma_wait3A_170 = tpu.memref_squeeze %dma_wait3A_169 : memref<1x16xf32, #tpu.memory_space<hbm>> -> memref<16xf32, #tpu.memory_space<hbm>>
      %dma_wait3A_171 = arith.constant 0 : i32
      %dma_wait3A_172 = tpu.memref_slice %arg5[%arg1, %dma_wait3A_171] : memref<16x16xf32, #tpu.memory_space<hbm>> -> memref<1x16xf32, #tpu.memory_space<hbm>>
      %dma_wait3A_173 = tpu.memref_squeeze %dma_wait3A_172 : memref<1x16xf32, #tpu.memory_space<hbm>> -> memref<16xf32, #tpu.memory_space<hbm>>
      tpu.wait_dma2 semaphore(%run_scoped3A : memref<!tpu.dma_semaphore, #tpu.memory_space<semaphore_mem>>) src(%arg10 : memref<16xf32, #tpu.memory_space<vmem>>) dst(%dma_wait3A_173 : memref<16xf32, #tpu.memory_space<hbm>>)
      tpu.yield
    }) : () -> ()
    "tpu.region"() ({
      %run_scoped3A = tpu.sem_alloc : memref<!tpu.dma_semaphore, #tpu.memory_space<semaphore_mem>>
      %dma_start3A = arith.constant 0 : i32
      %dma_start3A_164 = tpu.memref_slice %arg6[%arg1, %dma_start3A] : memref<16x16xf32, #tpu.memory_space<hbm>> -> memref<1x16xf32, #tpu.memory_space<hbm>>
      %dma_start3A_165 = tpu.memref_squeeze %dma_start3A_164 : memref<1x16xf32, #tpu.memory_space<hbm>> -> memref<16xf32, #tpu.memory_space<hbm>>
      %dma_start3A_166 = arith.constant 0 : i32
      %dma_start3A_167 = tpu.memref_slice %arg6[%arg1, %dma_start3A_166] : memref<16x16xf32, #tpu.memory_space<hbm>> -> memref<1x16xf32, #tpu.memory_space<hbm>>
      %dma_start3A_168 = tpu.memref_squeeze %dma_start3A_167 : memref<1x16xf32, #tpu.memory_space<hbm>> -> memref<16xf32, #tpu.memory_space<hbm>>
      tpu.enqueue_dma source(%arg11 : memref<16xf32, #tpu.memory_space<vmem>>) target(%dma_start3A_168 : memref<16xf32, #tpu.memory_space<hbm>>) target_semaphore(%run_scoped3A : memref<!tpu.dma_semaphore, #tpu.memory_space<semaphore_mem>>)
      %dma_wait3A = arith.constant 0 : i32
      %dma_wait3A_169 = tpu.memref_slice %arg6[%arg1, %dma_wait3A] : memref<16x16xf32, #tpu.memory_space<hbm>> -> memref<1x16xf32, #tpu.memory_space<hbm>>
      %dma_wait3A_170 = tpu.memref_squeeze %dma_wait3A_169 : memref<1x16xf32, #tpu.memory_space<hbm>> -> memref<16xf32, #tpu.memory_space<hbm>>
      %dma_wait3A_171 = arith.constant 0 : i32
      %dma_wait3A_172 = tpu.memref_slice %arg6[%arg1, %dma_wait3A_171] : memref<16x16xf32, #tpu.memory_space<hbm>> -> memref<1x16xf32, #tpu.memory_space<hbm>>
      %dma_wait3A_173 = tpu.memref_squeeze %dma_wait3A_172 : memref<1x16xf32, #tpu.memory_space<hbm>> -> memref<16xf32, #tpu.memory_space<hbm>>
      tpu.wait_dma2 semaphore(%run_scoped3A : memref<!tpu.dma_semaphore, #tpu.memory_space<semaphore_mem>>) src(%arg11 : memref<16xf32, #tpu.memory_space<vmem>>) dst(%dma_wait3A_173 : memref<16xf32, #tpu.memory_space<hbm>>)
      tpu.yield
    }) : () -> ()
    return
  }
}

module attributes {stable_mosaic.version = 14 : i64} {
  func.func @_tc_body(%arg0: memref<180x72xf32, #tpu.memory_space<vmem>>, %arg1: memref<8x72x4xf32, #tpu.memory_space<vmem>>, %arg2: memref<1x5120xf32, #tpu.memory_space<vmem>>, %arg3: memref<1x5120xf32, #tpu.memory_space<vmem>>, %arg4: memref<128x4000xf32, #tpu.memory_space<vmem>>, %arg5: memref<2x128xf32, #tpu.memory_space<vmem>>, %arg6: memref<2x1xf32, #tpu.memory_space<vmem>>, %arg7: memref<8x640xf32, #tpu.memory_space<vmem>>, %arg8: memref<8x640xi32, #tpu.memory_space<vmem>>, %arg9: memref<1x4000xf32, #tpu.memory_space<vmem>>) attributes {dimension_semantics = [], scalar_prefetch = 0 : i64, scratch_operands = 0 : i64, tpu.core_type = #tpu.core_type<tc>} {
    %get3A = arith.constant 0 : index
    %get3A_0 = arith.constant 0 : index
    %get3A_1 = vector.load %arg0[%get3A, %get3A_0] : memref<180x72xf32, #tpu.memory_space<vmem>>, vector<180x72xf32>
    %get3A_2 = arith.constant 0 : index
    %get3A_3 = arith.constant 0 : index
    %get3A_4 = vector.load %arg2[%get3A_2, %get3A_3] : memref<1x5120xf32, #tpu.memory_space<vmem>>, vector<1x5120xf32>
    %mul3A = arith.constant 8.000000e+02 : f32
    %mul3A_5 = vector.broadcast %mul3A : f32 to vector<1x5120xf32>
    %mul3A_6 = arith.mulf %get3A_4, %mul3A_5 : vector<1x5120xf32>
    %get3A_7 = arith.constant 0 : index
    %get3A_8 = arith.constant 0 : index
    %get3A_9 = vector.load %arg3[%get3A_7, %get3A_8] : memref<1x5120xf32, #tpu.memory_space<vmem>>, vector<1x5120xf32>
    %mul3A_10 = arith.constant 3.200000e+02 : f32
    %mul3A_11 = vector.broadcast %mul3A_10 : f32 to vector<1x5120xf32>
    %mul3A_12 = arith.mulf %get3A_9, %mul3A_11 : vector<1x5120xf32>
    %get3A_13 = arith.constant 0 : index
    %get3A_14 = arith.constant 0 : index
    %get3A_15 = arith.constant 0 : index
    %get3A_16 = vector.load %arg1[%get3A_13, %get3A_14, %get3A_15] : memref<8x72x4xf32, #tpu.memory_space<vmem>>, vector<1x72x4xf32>
    %get3A_17 = vector.shape_cast %get3A_16 : vector<1x72x4xf32> to vector<72x4xf32>
    %dot_general3A = arith.constant dense<0.000000e+00> : vector<180x4xf32>
    %dot_general3A_18 = tpu.matmul %get3A_1, %get3A_17, %dot_general3A {dimension_numbers = #tpu.dot_dimension_numbers<[1], [0], [0], [1], [0, 0, 1, 1], [], []>, precision = #tpu.contract_precision<fp32>, transpose_lhs_hint = false} : vector<180x72xf32>, vector<72x4xf32>, vector<180x4xf32> -> vector<180x4xf32>
    %slice3A = vector.extract_strided_slice %dot_general3A_18 {offsets = [0, 0], sizes = [180, 1], strides = [1, 1]} : vector<180x4xf32> to vector<180x1xf32>
    %slice3A_19 = vector.extract_strided_slice %dot_general3A_18 {offsets = [0, 2], sizes = [180, 1], strides = [1, 1]} : vector<180x4xf32> to vector<180x1xf32>
    %concatenate3A = tpu.concatenate %slice3A, %slice3A_19 in 0 : vector<180x1xf32>, vector<180x1xf32> -> vector<360x1xf32>
    %mul3A_20 = arith.constant 8.000000e+02 : f32
    %mul3A_21 = vector.broadcast %mul3A_20 : f32 to vector<360x1xf32>
    %mul3A_22 = arith.mulf %concatenate3A, %mul3A_21 : vector<360x1xf32>
    %slice3A_23 = vector.extract_strided_slice %dot_general3A_18 {offsets = [0, 1], sizes = [180, 1], strides = [1, 1]} : vector<180x4xf32> to vector<180x1xf32>
    %slice3A_24 = vector.extract_strided_slice %dot_general3A_18 {offsets = [0, 3], sizes = [180, 1], strides = [1, 1]} : vector<180x4xf32> to vector<180x1xf32>
    %concatenate3A_25 = tpu.concatenate %slice3A_23, %slice3A_24 in 0 : vector<180x1xf32>, vector<180x1xf32> -> vector<360x1xf32>
    %mul3A_26 = arith.constant 3.200000e+02 : f32
    %mul3A_27 = vector.broadcast %mul3A_26 : f32 to vector<360x1xf32>
    %mul3A_28 = arith.mulf %concatenate3A_25, %mul3A_27 : vector<360x1xf32>
    %concatenate3A_29 = tpu.concatenate %mul3A_22, %mul3A_28 in 1 : vector<360x1xf32>, vector<360x1xf32> -> vector<360x2xf32>
    %mul3A_30 = arith.mulf %mul3A_22, %mul3A_22 : vector<360x1xf32>
    %mul3A_31 = arith.mulf %mul3A_28, %mul3A_28 : vector<360x1xf32>
    %add3A = arith.addf %mul3A_30, %mul3A_31 : vector<360x1xf32>
    %get3A_32 = arith.constant 1 : index
    %get3A_33 = arith.constant 0 : index
    %get3A_34 = arith.constant 0 : index
    %get3A_35 = vector.load %arg1[%get3A_32, %get3A_33, %get3A_34] : memref<8x72x4xf32, #tpu.memory_space<vmem>>, vector<1x72x4xf32>
    %get3A_36 = vector.shape_cast %get3A_35 : vector<1x72x4xf32> to vector<72x4xf32>
    %dot_general3A_37 = arith.constant dense<0.000000e+00> : vector<180x4xf32>
    %dot_general3A_38 = tpu.matmul %get3A_1, %get3A_36, %dot_general3A_37 {dimension_numbers = #tpu.dot_dimension_numbers<[1], [0], [0], [1], [0, 0, 1, 1], [], []>, precision = #tpu.contract_precision<fp32>, transpose_lhs_hint = false} : vector<180x72xf32>, vector<72x4xf32>, vector<180x4xf32> -> vector<180x4xf32>
    %slice3A_39 = vector.extract_strided_slice %dot_general3A_38 {offsets = [0, 0], sizes = [180, 1], strides = [1, 1]} : vector<180x4xf32> to vector<180x1xf32>
    %slice3A_40 = vector.extract_strided_slice %dot_general3A_38 {offsets = [0, 2], sizes = [180, 1], strides = [1, 1]} : vector<180x4xf32> to vector<180x1xf32>
    %concatenate3A_41 = tpu.concatenate %slice3A_39, %slice3A_40 in 0 : vector<180x1xf32>, vector<180x1xf32> -> vector<360x1xf32>
    %mul3A_42 = arith.constant 8.000000e+02 : f32
    %mul3A_43 = vector.broadcast %mul3A_42 : f32 to vector<360x1xf32>
    %mul3A_44 = arith.mulf %concatenate3A_41, %mul3A_43 : vector<360x1xf32>
    %slice3A_45 = vector.extract_strided_slice %dot_general3A_38 {offsets = [0, 1], sizes = [180, 1], strides = [1, 1]} : vector<180x4xf32> to vector<180x1xf32>
    %slice3A_46 = vector.extract_strided_slice %dot_general3A_38 {offsets = [0, 3], sizes = [180, 1], strides = [1, 1]} : vector<180x4xf32> to vector<180x1xf32>
    %concatenate3A_47 = tpu.concatenate %slice3A_45, %slice3A_46 in 0 : vector<180x1xf32>, vector<180x1xf32> -> vector<360x1xf32>
    %mul3A_48 = arith.constant 3.200000e+02 : f32
    %mul3A_49 = vector.broadcast %mul3A_48 : f32 to vector<360x1xf32>
    %mul3A_50 = arith.mulf %concatenate3A_47, %mul3A_49 : vector<360x1xf32>
    %concatenate3A_51 = tpu.concatenate %mul3A_44, %mul3A_50 in 1 : vector<360x1xf32>, vector<360x1xf32> -> vector<360x2xf32>
    %mul3A_52 = arith.mulf %mul3A_44, %mul3A_44 : vector<360x1xf32>
    %mul3A_53 = arith.mulf %mul3A_50, %mul3A_50 : vector<360x1xf32>
    %add3A_54 = arith.addf %mul3A_52, %mul3A_53 : vector<360x1xf32>
    %get3A_55 = arith.constant 2 : index
    %get3A_56 = arith.constant 0 : index
    %get3A_57 = arith.constant 0 : index
    %get3A_58 = vector.load %arg1[%get3A_55, %get3A_56, %get3A_57] : memref<8x72x4xf32, #tpu.memory_space<vmem>>, vector<1x72x4xf32>
    %get3A_59 = vector.shape_cast %get3A_58 : vector<1x72x4xf32> to vector<72x4xf32>
    %dot_general3A_60 = arith.constant dense<0.000000e+00> : vector<180x4xf32>
    %dot_general3A_61 = tpu.matmul %get3A_1, %get3A_59, %dot_general3A_60 {dimension_numbers = #tpu.dot_dimension_numbers<[1], [0], [0], [1], [0, 0, 1, 1], [], []>, precision = #tpu.contract_precision<fp32>, transpose_lhs_hint = false} : vector<180x72xf32>, vector<72x4xf32>, vector<180x4xf32> -> vector<180x4xf32>
    %slice3A_62 = vector.extract_strided_slice %dot_general3A_61 {offsets = [0, 0], sizes = [180, 1], strides = [1, 1]} : vector<180x4xf32> to vector<180x1xf32>
    %slice3A_63 = vector.extract_strided_slice %dot_general3A_61 {offsets = [0, 2], sizes = [180, 1], strides = [1, 1]} : vector<180x4xf32> to vector<180x1xf32>
    %concatenate3A_64 = tpu.concatenate %slice3A_62, %slice3A_63 in 0 : vector<180x1xf32>, vector<180x1xf32> -> vector<360x1xf32>
    %mul3A_65 = arith.constant 8.000000e+02 : f32
    %mul3A_66 = vector.broadcast %mul3A_65 : f32 to vector<360x1xf32>
    %mul3A_67 = arith.mulf %concatenate3A_64, %mul3A_66 : vector<360x1xf32>
    %slice3A_68 = vector.extract_strided_slice %dot_general3A_61 {offsets = [0, 1], sizes = [180, 1], strides = [1, 1]} : vector<180x4xf32> to vector<180x1xf32>
    %slice3A_69 = vector.extract_strided_slice %dot_general3A_61 {offsets = [0, 3], sizes = [180, 1], strides = [1, 1]} : vector<180x4xf32> to vector<180x1xf32>
    %concatenate3A_70 = tpu.concatenate %slice3A_68, %slice3A_69 in 0 : vector<180x1xf32>, vector<180x1xf32> -> vector<360x1xf32>
    %mul3A_71 = arith.constant 3.200000e+02 : f32
    %mul3A_72 = vector.broadcast %mul3A_71 : f32 to vector<360x1xf32>
    %mul3A_73 = arith.mulf %concatenate3A_70, %mul3A_72 : vector<360x1xf32>
    %concatenate3A_74 = tpu.concatenate %mul3A_67, %mul3A_73 in 1 : vector<360x1xf32>, vector<360x1xf32> -> vector<360x2xf32>
    %mul3A_75 = arith.mulf %mul3A_67, %mul3A_67 : vector<360x1xf32>
    %mul3A_76 = arith.mulf %mul3A_73, %mul3A_73 : vector<360x1xf32>
    %add3A_77 = arith.addf %mul3A_75, %mul3A_76 : vector<360x1xf32>
    %get3A_78 = arith.constant 3 : index
    %get3A_79 = arith.constant 0 : index
    %get3A_80 = arith.constant 0 : index
    %get3A_81 = vector.load %arg1[%get3A_78, %get3A_79, %get3A_80] : memref<8x72x4xf32, #tpu.memory_space<vmem>>, vector<1x72x4xf32>
    %get3A_82 = vector.shape_cast %get3A_81 : vector<1x72x4xf32> to vector<72x4xf32>
    %dot_general3A_83 = arith.constant dense<0.000000e+00> : vector<180x4xf32>
    %dot_general3A_84 = tpu.matmul %get3A_1, %get3A_82, %dot_general3A_83 {dimension_numbers = #tpu.dot_dimension_numbers<[1], [0], [0], [1], [0, 0, 1, 1], [], []>, precision = #tpu.contract_precision<fp32>, transpose_lhs_hint = false} : vector<180x72xf32>, vector<72x4xf32>, vector<180x4xf32> -> vector<180x4xf32>
    %slice3A_85 = vector.extract_strided_slice %dot_general3A_84 {offsets = [0, 0], sizes = [180, 1], strides = [1, 1]} : vector<180x4xf32> to vector<180x1xf32>
    %slice3A_86 = vector.extract_strided_slice %dot_general3A_84 {offsets = [0, 2], sizes = [180, 1], strides = [1, 1]} : vector<180x4xf32> to vector<180x1xf32>
    %concatenate3A_87 = tpu.concatenate %slice3A_85, %slice3A_86 in 0 : vector<180x1xf32>, vector<180x1xf32> -> vector<360x1xf32>
    %mul3A_88 = arith.constant 8.000000e+02 : f32
    %mul3A_89 = vector.broadcast %mul3A_88 : f32 to vector<360x1xf32>
    %mul3A_90 = arith.mulf %concatenate3A_87, %mul3A_89 : vector<360x1xf32>
    %slice3A_91 = vector.extract_strided_slice %dot_general3A_84 {offsets = [0, 1], sizes = [180, 1], strides = [1, 1]} : vector<180x4xf32> to vector<180x1xf32>
    %slice3A_92 = vector.extract_strided_slice %dot_general3A_84 {offsets = [0, 3], sizes = [180, 1], strides = [1, 1]} : vector<180x4xf32> to vector<180x1xf32>
    %concatenate3A_93 = tpu.concatenate %slice3A_91, %slice3A_92 in 0 : vector<180x1xf32>, vector<180x1xf32> -> vector<360x1xf32>
    %mul3A_94 = arith.constant 3.200000e+02 : f32
    %mul3A_95 = vector.broadcast %mul3A_94 : f32 to vector<360x1xf32>
    %mul3A_96 = arith.mulf %concatenate3A_93, %mul3A_95 : vector<360x1xf32>
    %concatenate3A_97 = tpu.concatenate %mul3A_90, %mul3A_96 in 1 : vector<360x1xf32>, vector<360x1xf32> -> vector<360x2xf32>
    %mul3A_98 = arith.mulf %mul3A_90, %mul3A_90 : vector<360x1xf32>
    %mul3A_99 = arith.mulf %mul3A_96, %mul3A_96 : vector<360x1xf32>
    %add3A_100 = arith.addf %mul3A_98, %mul3A_99 : vector<360x1xf32>
    %get3A_101 = arith.constant 4 : index
    %get3A_102 = arith.constant 0 : index
    %get3A_103 = arith.constant 0 : index
    %get3A_104 = vector.load %arg1[%get3A_101, %get3A_102, %get3A_103] : memref<8x72x4xf32, #tpu.memory_space<vmem>>, vector<1x72x4xf32>
    %get3A_105 = vector.shape_cast %get3A_104 : vector<1x72x4xf32> to vector<72x4xf32>
    %dot_general3A_106 = arith.constant dense<0.000000e+00> : vector<180x4xf32>
    %dot_general3A_107 = tpu.matmul %get3A_1, %get3A_105, %dot_general3A_106 {dimension_numbers = #tpu.dot_dimension_numbers<[1], [0], [0], [1], [0, 0, 1, 1], [], []>, precision = #tpu.contract_precision<fp32>, transpose_lhs_hint = false} : vector<180x72xf32>, vector<72x4xf32>, vector<180x4xf32> -> vector<180x4xf32>
    %slice3A_108 = vector.extract_strided_slice %dot_general3A_107 {offsets = [0, 0], sizes = [180, 1], strides = [1, 1]} : vector<180x4xf32> to vector<180x1xf32>
    %slice3A_109 = vector.extract_strided_slice %dot_general3A_107 {offsets = [0, 2], sizes = [180, 1], strides = [1, 1]} : vector<180x4xf32> to vector<180x1xf32>
    %concatenate3A_110 = tpu.concatenate %slice3A_108, %slice3A_109 in 0 : vector<180x1xf32>, vector<180x1xf32> -> vector<360x1xf32>
    %mul3A_111 = arith.constant 8.000000e+02 : f32
    %mul3A_112 = vector.broadcast %mul3A_111 : f32 to vector<360x1xf32>
    %mul3A_113 = arith.mulf %concatenate3A_110, %mul3A_112 : vector<360x1xf32>
    %slice3A_114 = vector.extract_strided_slice %dot_general3A_107 {offsets = [0, 1], sizes = [180, 1], strides = [1, 1]} : vector<180x4xf32> to vector<180x1xf32>
    %slice3A_115 = vector.extract_strided_slice %dot_general3A_107 {offsets = [0, 3], sizes = [180, 1], strides = [1, 1]} : vector<180x4xf32> to vector<180x1xf32>
    %concatenate3A_116 = tpu.concatenate %slice3A_114, %slice3A_115 in 0 : vector<180x1xf32>, vector<180x1xf32> -> vector<360x1xf32>
    %mul3A_117 = arith.constant 3.200000e+02 : f32
    %mul3A_118 = vector.broadcast %mul3A_117 : f32 to vector<360x1xf32>
    %mul3A_119 = arith.mulf %concatenate3A_116, %mul3A_118 : vector<360x1xf32>
    %concatenate3A_120 = tpu.concatenate %mul3A_113, %mul3A_119 in 1 : vector<360x1xf32>, vector<360x1xf32> -> vector<360x2xf32>
    %mul3A_121 = arith.mulf %mul3A_113, %mul3A_113 : vector<360x1xf32>
    %mul3A_122 = arith.mulf %mul3A_119, %mul3A_119 : vector<360x1xf32>
    %add3A_123 = arith.addf %mul3A_121, %mul3A_122 : vector<360x1xf32>
    %get3A_124 = arith.constant 5 : index
    %get3A_125 = arith.constant 0 : index
    %get3A_126 = arith.constant 0 : index
    %get3A_127 = vector.load %arg1[%get3A_124, %get3A_125, %get3A_126] : memref<8x72x4xf32, #tpu.memory_space<vmem>>, vector<1x72x4xf32>
    %get3A_128 = vector.shape_cast %get3A_127 : vector<1x72x4xf32> to vector<72x4xf32>
    %dot_general3A_129 = arith.constant dense<0.000000e+00> : vector<180x4xf32>
    %dot_general3A_130 = tpu.matmul %get3A_1, %get3A_128, %dot_general3A_129 {dimension_numbers = #tpu.dot_dimension_numbers<[1], [0], [0], [1], [0, 0, 1, 1], [], []>, precision = #tpu.contract_precision<fp32>, transpose_lhs_hint = false} : vector<180x72xf32>, vector<72x4xf32>, vector<180x4xf32> -> vector<180x4xf32>
    %slice3A_131 = vector.extract_strided_slice %dot_general3A_130 {offsets = [0, 0], sizes = [180, 1], strides = [1, 1]} : vector<180x4xf32> to vector<180x1xf32>
    %slice3A_132 = vector.extract_strided_slice %dot_general3A_130 {offsets = [0, 2], sizes = [180, 1], strides = [1, 1]} : vector<180x4xf32> to vector<180x1xf32>
    %concatenate3A_133 = tpu.concatenate %slice3A_131, %slice3A_132 in 0 : vector<180x1xf32>, vector<180x1xf32> -> vector<360x1xf32>
    %mul3A_134 = arith.constant 8.000000e+02 : f32
    %mul3A_135 = vector.broadcast %mul3A_134 : f32 to vector<360x1xf32>
    %mul3A_136 = arith.mulf %concatenate3A_133, %mul3A_135 : vector<360x1xf32>
    %slice3A_137 = vector.extract_strided_slice %dot_general3A_130 {offsets = [0, 1], sizes = [180, 1], strides = [1, 1]} : vector<180x4xf32> to vector<180x1xf32>
    %slice3A_138 = vector.extract_strided_slice %dot_general3A_130 {offsets = [0, 3], sizes = [180, 1], strides = [1, 1]} : vector<180x4xf32> to vector<180x1xf32>
    %concatenate3A_139 = tpu.concatenate %slice3A_137, %slice3A_138 in 0 : vector<180x1xf32>, vector<180x1xf32> -> vector<360x1xf32>
    %mul3A_140 = arith.constant 3.200000e+02 : f32
    %mul3A_141 = vector.broadcast %mul3A_140 : f32 to vector<360x1xf32>
    %mul3A_142 = arith.mulf %concatenate3A_139, %mul3A_141 : vector<360x1xf32>
    %concatenate3A_143 = tpu.concatenate %mul3A_136, %mul3A_142 in 1 : vector<360x1xf32>, vector<360x1xf32> -> vector<360x2xf32>
    %mul3A_144 = arith.mulf %mul3A_136, %mul3A_136 : vector<360x1xf32>
    %mul3A_145 = arith.mulf %mul3A_142, %mul3A_142 : vector<360x1xf32>
    %add3A_146 = arith.addf %mul3A_144, %mul3A_145 : vector<360x1xf32>
    %get3A_147 = arith.constant 6 : index
    %get3A_148 = arith.constant 0 : index
    %get3A_149 = arith.constant 0 : index
    %get3A_150 = vector.load %arg1[%get3A_147, %get3A_148, %get3A_149] : memref<8x72x4xf32, #tpu.memory_space<vmem>>, vector<1x72x4xf32>
    %get3A_151 = vector.shape_cast %get3A_150 : vector<1x72x4xf32> to vector<72x4xf32>
    %dot_general3A_152 = arith.constant dense<0.000000e+00> : vector<180x4xf32>
    %dot_general3A_153 = tpu.matmul %get3A_1, %get3A_151, %dot_general3A_152 {dimension_numbers = #tpu.dot_dimension_numbers<[1], [0], [0], [1], [0, 0, 1, 1], [], []>, precision = #tpu.contract_precision<fp32>, transpose_lhs_hint = false} : vector<180x72xf32>, vector<72x4xf32>, vector<180x4xf32> -> vector<180x4xf32>
    %slice3A_154 = vector.extract_strided_slice %dot_general3A_153 {offsets = [0, 0], sizes = [180, 1], strides = [1, 1]} : vector<180x4xf32> to vector<180x1xf32>
    %slice3A_155 = vector.extract_strided_slice %dot_general3A_153 {offsets = [0, 2], sizes = [180, 1], strides = [1, 1]} : vector<180x4xf32> to vector<180x1xf32>
    %concatenate3A_156 = tpu.concatenate %slice3A_154, %slice3A_155 in 0 : vector<180x1xf32>, vector<180x1xf32> -> vector<360x1xf32>
    %mul3A_157 = arith.constant 8.000000e+02 : f32
    %mul3A_158 = vector.broadcast %mul3A_157 : f32 to vector<360x1xf32>
    %mul3A_159 = arith.mulf %concatenate3A_156, %mul3A_158 : vector<360x1xf32>
    %slice3A_160 = vector.extract_strided_slice %dot_general3A_153 {offsets = [0, 1], sizes = [180, 1], strides = [1, 1]} : vector<180x4xf32> to vector<180x1xf32>
    %slice3A_161 = vector.extract_strided_slice %dot_general3A_153 {offsets = [0, 3], sizes = [180, 1], strides = [1, 1]} : vector<180x4xf32> to vector<180x1xf32>
    %concatenate3A_162 = tpu.concatenate %slice3A_160, %slice3A_161 in 0 : vector<180x1xf32>, vector<180x1xf32> -> vector<360x1xf32>
    %mul3A_163 = arith.constant 3.200000e+02 : f32
    %mul3A_164 = vector.broadcast %mul3A_163 : f32 to vector<360x1xf32>
    %mul3A_165 = arith.mulf %concatenate3A_162, %mul3A_164 : vector<360x1xf32>
    %concatenate3A_166 = tpu.concatenate %mul3A_159, %mul3A_165 in 1 : vector<360x1xf32>, vector<360x1xf32> -> vector<360x2xf32>
    %mul3A_167 = arith.mulf %mul3A_159, %mul3A_159 : vector<360x1xf32>
    %mul3A_168 = arith.mulf %mul3A_165, %mul3A_165 : vector<360x1xf32>
    %add3A_169 = arith.addf %mul3A_167, %mul3A_168 : vector<360x1xf32>
    %get3A_170 = arith.constant 7 : index
    %get3A_171 = arith.constant 0 : index
    %get3A_172 = arith.constant 0 : index
    %get3A_173 = vector.load %arg1[%get3A_170, %get3A_171, %get3A_172] : memref<8x72x4xf32, #tpu.memory_space<vmem>>, vector<1x72x4xf32>
    %get3A_174 = vector.shape_cast %get3A_173 : vector<1x72x4xf32> to vector<72x4xf32>
    %dot_general3A_175 = arith.constant dense<0.000000e+00> : vector<180x4xf32>
    %dot_general3A_176 = tpu.matmul %get3A_1, %get3A_174, %dot_general3A_175 {dimension_numbers = #tpu.dot_dimension_numbers<[1], [0], [0], [1], [0, 0, 1, 1], [], []>, precision = #tpu.contract_precision<fp32>, transpose_lhs_hint = false} : vector<180x72xf32>, vector<72x4xf32>, vector<180x4xf32> -> vector<180x4xf32>
    %slice3A_177 = vector.extract_strided_slice %dot_general3A_176 {offsets = [0, 0], sizes = [180, 1], strides = [1, 1]} : vector<180x4xf32> to vector<180x1xf32>
    %slice3A_178 = vector.extract_strided_slice %dot_general3A_176 {offsets = [0, 2], sizes = [180, 1], strides = [1, 1]} : vector<180x4xf32> to vector<180x1xf32>
    %concatenate3A_179 = tpu.concatenate %slice3A_177, %slice3A_178 in 0 : vector<180x1xf32>, vector<180x1xf32> -> vector<360x1xf32>
    %mul3A_180 = arith.constant 8.000000e+02 : f32
    %mul3A_181 = vector.broadcast %mul3A_180 : f32 to vector<360x1xf32>
    %mul3A_182 = arith.mulf %concatenate3A_179, %mul3A_181 : vector<360x1xf32>
    %slice3A_183 = vector.extract_strided_slice %dot_general3A_176 {offsets = [0, 1], sizes = [180, 1], strides = [1, 1]} : vector<180x4xf32> to vector<180x1xf32>
    %slice3A_184 = vector.extract_strided_slice %dot_general3A_176 {offsets = [0, 3], sizes = [180, 1], strides = [1, 1]} : vector<180x4xf32> to vector<180x1xf32>
    %concatenate3A_185 = tpu.concatenate %slice3A_183, %slice3A_184 in 0 : vector<180x1xf32>, vector<180x1xf32> -> vector<360x1xf32>
    %mul3A_186 = arith.constant 3.200000e+02 : f32
    %mul3A_187 = vector.broadcast %mul3A_186 : f32 to vector<360x1xf32>
    %mul3A_188 = arith.mulf %concatenate3A_185, %mul3A_187 : vector<360x1xf32>
    %concatenate3A_189 = tpu.concatenate %mul3A_182, %mul3A_188 in 1 : vector<360x1xf32>, vector<360x1xf32> -> vector<360x2xf32>
    %mul3A_190 = arith.mulf %mul3A_182, %mul3A_182 : vector<360x1xf32>
    %mul3A_191 = arith.mulf %mul3A_188, %mul3A_188 : vector<360x1xf32>
    %add3A_192 = arith.addf %mul3A_190, %mul3A_191 : vector<360x1xf32>
    %concatenate3A_193 = tpu.concatenate %concatenate3A_29, %concatenate3A_51, %concatenate3A_74, %concatenate3A_97, %concatenate3A_120, %concatenate3A_143, %concatenate3A_166, %concatenate3A_189 in 1 : vector<360x2xf32>, vector<360x2xf32>, vector<360x2xf32>, vector<360x2xf32>, vector<360x2xf32>, vector<360x2xf32>, vector<360x2xf32>, vector<360x2xf32> -> vector<360x16xf32>
    %iota3A = tpu.iota {dimensions = array<i32: 0>} : vector<16x5120xi32>
    %iota3A_194 = tpu.iota {dimensions = array<i32: 1>} : vector<16x5120xi32>
    %jit3A = arith.constant 2 : i32
    %div3A = vector.broadcast %jit3A : i32 to vector<16x5120xi32>
    %div3A_195 = arith.divsi %iota3A, %div3A : vector<16x5120xi32>
    %sign3A = arith.constant 0 : i32
    %sign3A_196 = vector.broadcast %sign3A : i32 to vector<16x5120xi32>
    %sign3A_197 = arith.cmpi sgt, %iota3A, %sign3A_196 : vector<16x5120xi32>
    %sign3A_198 = arith.extui %sign3A_197 : vector<16x5120xi1> to vector<16x5120xi32>
    %sign3A_199 = arith.constant 0 : i32
    %sign3A_200 = vector.broadcast %sign3A_199 : i32 to vector<16x5120xi32>
    %sign3A_201 = arith.cmpi slt, %iota3A, %sign3A_200 : vector<16x5120xi32>
    %sign3A_202 = arith.extui %sign3A_201 : vector<16x5120xi1> to vector<16x5120xi32>
    %sign3A_203 = arith.subi %sign3A_198, %sign3A_202 : vector<16x5120xi32>
    %sign3A_204 = arith.constant 0 : i32
    %sign3A_205 = arith.cmpi sgt, %jit3A, %sign3A_204 : i32
    %sign3A_206 = arith.extui %sign3A_205 : i1 to i32
    %sign3A_207 = arith.constant 0 : i32
    %sign3A_208 = arith.cmpi slt, %jit3A, %sign3A_207 : i32
    %sign3A_209 = arith.extui %sign3A_208 : i1 to i32
    %sign3A_210 = arith.subi %sign3A_206, %sign3A_209 : i32
    %ne3A = vector.broadcast %sign3A_210 : i32 to vector<16x5120xi32>
    %ne3A_211 = arith.cmpi ne, %sign3A_203, %ne3A : vector<16x5120xi32>
    %rem3A = vector.broadcast %jit3A : i32 to vector<16x5120xi32>
    %rem3A_212 = arith.remsi %iota3A, %rem3A : vector<16x5120xi32>
    %ne3A_213 = arith.constant 0 : i32
    %ne3A_214 = vector.broadcast %ne3A_213 : i32 to vector<16x5120xi32>
    %ne3A_215 = arith.cmpi ne, %rem3A_212, %ne3A_214 : vector<16x5120xi32>
    %and3A = arith.andi %ne3A_211, %ne3A_215 : vector<16x5120xi1>
    %sub3A = arith.constant 1 : i32
    %sub3A_216 = vector.broadcast %sub3A : i32 to vector<16x5120xi32>
    %sub3A_217 = arith.subi %div3A_195, %sub3A_216 : vector<16x5120xi32>
    %select_n3A = arith.select %and3A, %sub3A_217, %div3A_195 : vector<16x5120xi1>, vector<16x5120xi32>
    %jit3A_218 = arith.constant 640 : i32
    %div3A_219 = vector.broadcast %jit3A_218 : i32 to vector<16x5120xi32>
    %div3A_220 = arith.divsi %iota3A_194, %div3A_219 : vector<16x5120xi32>
    %sign3A_221 = arith.constant 0 : i32
    %sign3A_222 = vector.broadcast %sign3A_221 : i32 to vector<16x5120xi32>
    %sign3A_223 = arith.cmpi sgt, %iota3A_194, %sign3A_222 : vector<16x5120xi32>
    %sign3A_224 = arith.extui %sign3A_223 : vector<16x5120xi1> to vector<16x5120xi32>
    %sign3A_225 = arith.constant 0 : i32
    %sign3A_226 = vector.broadcast %sign3A_225 : i32 to vector<16x5120xi32>
    %sign3A_227 = arith.cmpi slt, %iota3A_194, %sign3A_226 : vector<16x5120xi32>
    %sign3A_228 = arith.extui %sign3A_227 : vector<16x5120xi1> to vector<16x5120xi32>
    %sign3A_229 = arith.subi %sign3A_224, %sign3A_228 : vector<16x5120xi32>
    %sign3A_230 = arith.constant 0 : i32
    %sign3A_231 = arith.cmpi sgt, %jit3A_218, %sign3A_230 : i32
    %sign3A_232 = arith.extui %sign3A_231 : i1 to i32
    %sign3A_233 = arith.constant 0 : i32
    %sign3A_234 = arith.cmpi slt, %jit3A_218, %sign3A_233 : i32
    %sign3A_235 = arith.extui %sign3A_234 : i1 to i32
    %sign3A_236 = arith.subi %sign3A_232, %sign3A_235 : i32
    %ne3A_237 = vector.broadcast %sign3A_236 : i32 to vector<16x5120xi32>
    %ne3A_238 = arith.cmpi ne, %sign3A_229, %ne3A_237 : vector<16x5120xi32>
    %rem3A_239 = vector.broadcast %jit3A_218 : i32 to vector<16x5120xi32>
    %rem3A_240 = arith.remsi %iota3A_194, %rem3A_239 : vector<16x5120xi32>
    %ne3A_241 = arith.constant 0 : i32
    %ne3A_242 = vector.broadcast %ne3A_241 : i32 to vector<16x5120xi32>
    %ne3A_243 = arith.cmpi ne, %rem3A_240, %ne3A_242 : vector<16x5120xi32>
    %and3A_244 = arith.andi %ne3A_238, %ne3A_243 : vector<16x5120xi1>
    %sub3A_245 = arith.constant 1 : i32
    %sub3A_246 = vector.broadcast %sub3A_245 : i32 to vector<16x5120xi32>
    %sub3A_247 = arith.subi %div3A_220, %sub3A_246 : vector<16x5120xi32>
    %select_n3A_248 = arith.select %and3A_244, %sub3A_247, %div3A_220 : vector<16x5120xi1>, vector<16x5120xi32>
    %eq3A = arith.cmpi eq, %select_n3A, %select_n3A_248 : vector<16x5120xi32>
    %jit3A_249 = arith.constant 2 : i32
    %eq3A_250 = arith.constant 0 : i32
    %eq3A_251 = arith.cmpi eq, %jit3A_249, %eq3A_250 : i32
    %jit3A_252 = arith.constant 1 : i32
    %select_n3A_253 = arith.select %eq3A_251, %jit3A_252, %jit3A_249 : i32
    %rem3A_254 = vector.broadcast %select_n3A_253 : i32 to vector<16x5120xi32>
    %rem3A_255 = arith.remsi %iota3A, %rem3A_254 : vector<16x5120xi32>
    %ne3A_256 = arith.constant 0 : i32
    %ne3A_257 = vector.broadcast %ne3A_256 : i32 to vector<16x5120xi32>
    %ne3A_258 = arith.cmpi ne, %rem3A_255, %ne3A_257 : vector<16x5120xi32>
    %lt3A = arith.constant 0 : i32
    %lt3A_259 = vector.broadcast %lt3A : i32 to vector<16x5120xi32>
    %lt3A_260 = arith.cmpi slt, %rem3A_255, %lt3A_259 : vector<16x5120xi32>
    %lt3A_261 = arith.constant 0 : i32
    %lt3A_262 = arith.cmpi slt, %select_n3A_253, %lt3A_261 : i32
    %ne3A_263 = vector.broadcast %lt3A_262 : i1 to vector<16x5120xi1>
    %ne3A_264 = vector.broadcast %ne3A_263 : vector<16x5120xi1> to vector<16x5120xi1>
    %ne3A_265 = arith.xori %lt3A_260, %ne3A_264 : vector<16x5120xi1>
    %and3A_266 = arith.andi %ne3A_265, %ne3A_258 : vector<16x5120xi1>
    %add3A_267 = vector.broadcast %select_n3A_253 : i32 to vector<16x5120xi32>
    %add3A_268 = arith.addi %rem3A_255, %add3A_267 : vector<16x5120xi32>
    %select_n3A_269 = arith.select %and3A_266, %add3A_268, %rem3A_255 : vector<16x5120xi1>, vector<16x5120xi32>
    %eq3A_270 = arith.constant 0 : i32
    %eq3A_271 = vector.broadcast %eq3A_270 : i32 to vector<16x5120xi32>
    %eq3A_272 = arith.cmpi eq, %select_n3A_269, %eq3A_271 : vector<16x5120xi32>
    %broadcast_in_dim3A = vector.shape_cast %mul3A_6 : vector<1x5120xf32> to vector<1x5120xf32>
    %broadcast_in_dim3A_273 = vector.broadcast %broadcast_in_dim3A : vector<1x5120xf32> to vector<16x5120xf32>
    %broadcast_in_dim3A_274 = vector.shape_cast %mul3A_12 : vector<1x5120xf32> to vector<1x5120xf32>
    %broadcast_in_dim3A_275 = vector.broadcast %broadcast_in_dim3A_274 : vector<1x5120xf32> to vector<16x5120xf32>
    %select_n3A_276 = arith.select %eq3A_272, %broadcast_in_dim3A_273, %broadcast_in_dim3A_275 : vector<16x5120xi1>, vector<16x5120xf32>
    %convert_element_type3A = arith.extui %eq3A : vector<16x5120xi1> to vector<16x5120xi32>
    %convert_element_type3A_277 = arith.sitofp %convert_element_type3A : vector<16x5120xi32> to vector<16x5120xf32>
    %mul3A_278 = arith.mulf %select_n3A_276, %convert_element_type3A_277 : vector<16x5120xf32>
    %dot_general3A_279 = arith.constant dense<0.000000e+00> : vector<360x5120xf32>
    %dot_general3A_280 = tpu.matmul %concatenate3A_193, %mul3A_278, %dot_general3A_279 {dimension_numbers = #tpu.dot_dimension_numbers<[1], [0], [0], [1], [0, 0, 1, 1], [], []>, transpose_lhs_hint = false} : vector<360x16xf32>, vector<16x5120xf32>, vector<360x5120xf32> -> vector<360x5120xf32>
    %slice3A_281 = vector.extract_strided_slice %mul3A_6 {offsets = [0, 0], sizes = [1, 640], strides = [1, 1]} : vector<1x5120xf32> to vector<1x640xf32>
    %slice3A_282 = vector.extract_strided_slice %mul3A_12 {offsets = [0, 0], sizes = [1, 640], strides = [1, 1]} : vector<1x5120xf32> to vector<1x640xf32>
    %mul3A_283 = arith.mulf %slice3A_281, %slice3A_281 : vector<1x640xf32>
    %mul3A_284 = arith.mulf %slice3A_282, %slice3A_282 : vector<1x640xf32>
    %add3A_285 = arith.addf %mul3A_283, %mul3A_284 : vector<1x640xf32>
    %add3A_286 = vector.broadcast %add3A_285 : vector<1x640xf32> to vector<360x640xf32>
    %add3A_287 = vector.broadcast %add3A : vector<360x1xf32> to vector<360x640xf32>
    %add3A_288 = arith.addf %add3A_286, %add3A_287 : vector<360x640xf32>
    %slice3A_289 = vector.extract_strided_slice %dot_general3A_280 {offsets = [0, 0], sizes = [360, 640], strides = [1, 1]} : vector<360x5120xf32> to vector<360x640xf32>
    %mul3A_290 = arith.constant 2.000000e+00 : f32
    %mul3A_291 = vector.broadcast %mul3A_290 : f32 to vector<360x640xf32>
    %mul3A_292 = arith.mulf %mul3A_291, %slice3A_289 : vector<360x640xf32>
    %sub3A_293 = arith.subf %add3A_288, %mul3A_292 : vector<360x640xf32>
    %reduce_min3A = arith.constant dense<0x7F800000> : vector<640xf32>
    %reduce_min3A_294 = vector.multi_reduction <minimumf>, %sub3A_293, %reduce_min3A [0] : vector<360x640xf32> to vector<640xf32>
    %broadcast_in_dim3A_295 = vector.shape_cast %reduce_min3A_294 : vector<640xf32> to vector<1x640xf32>
    %max3A = arith.constant 0.000000e+00 : f32
    %max3A_296 = vector.broadcast %max3A : f32 to vector<1x640xf32>
    %max3A_297 = arith.maximumf %broadcast_in_dim3A_295, %max3A_296 : vector<1x640xf32>
    %add3A_298 = arith.constant 9.99999996E-13 : f32
    %add3A_299 = vector.broadcast %add3A_298 : f32 to vector<1x640xf32>
    %add3A_300 = arith.addf %max3A_297, %add3A_299 : vector<1x640xf32>
    %sub3A_301 = arith.constant 1.600000e+01 : f32
    %sub3A_302 = vector.broadcast %sub3A_301 : f32 to vector<1x640xf32>
    %sub3A_303 = arith.subf %slice3A_281, %sub3A_302 : vector<1x640xf32>
    %sub3A_304 = arith.constant 1.600000e+01 : f32
    %sub3A_305 = vector.broadcast %sub3A_304 : f32 to vector<1x640xf32>
    %sub3A_306 = arith.subf %slice3A_282, %sub3A_305 : vector<1x640xf32>
    %add3A_307 = arith.constant 1.600000e+01 : f32
    %add3A_308 = vector.broadcast %add3A_307 : f32 to vector<1x640xf32>
    %add3A_309 = arith.addf %slice3A_281, %add3A_308 : vector<1x640xf32>
    %add3A_310 = arith.constant 1.600000e+01 : f32
    %add3A_311 = vector.broadcast %add3A_310 : f32 to vector<1x640xf32>
    %add3A_312 = arith.addf %slice3A_282, %add3A_311 : vector<1x640xf32>
    %gt3A = arith.constant 0.000000e+00 : f32
    %gt3A_313 = vector.broadcast %gt3A : f32 to vector<1x640xf32>
    %gt3A_314 = arith.cmpf ogt, %sub3A_303, %gt3A_313 : vector<1x640xf32>
    %lt3A_315 = arith.constant 8.000000e+02 : f32
    %lt3A_316 = vector.broadcast %lt3A_315 : f32 to vector<1x640xf32>
    %lt3A_317 = arith.cmpf olt, %sub3A_303, %lt3A_316 : vector<1x640xf32>
    %and3A_318 = arith.andi %gt3A_314, %lt3A_317 : vector<1x640xi1>
    %ge3A = arith.constant 0.000000e+00 : f32
    %ge3A_319 = vector.broadcast %ge3A : f32 to vector<1x640xf32>
    %ge3A_320 = arith.cmpf oge, %sub3A_306, %ge3A_319 : vector<1x640xf32>
    %and3A_321 = arith.andi %and3A_318, %ge3A_320 : vector<1x640xi1>
    %lt3A_322 = arith.constant 3.200000e+02 : f32
    %lt3A_323 = vector.broadcast %lt3A_322 : f32 to vector<1x640xf32>
    %lt3A_324 = arith.cmpf olt, %sub3A_306, %lt3A_323 : vector<1x640xf32>
    %and3A_325 = arith.andi %and3A_321, %lt3A_324 : vector<1x640xi1>
    %ge3A_326 = arith.constant 0.000000e+00 : f32
    %ge3A_327 = vector.broadcast %ge3A_326 : f32 to vector<1x640xf32>
    %ge3A_328 = arith.cmpf oge, %add3A_309, %ge3A_327 : vector<1x640xf32>
    %and3A_329 = arith.andi %and3A_325, %ge3A_328 : vector<1x640xi1>
    %lt3A_330 = arith.constant 8.000000e+02 : f32
    %lt3A_331 = vector.broadcast %lt3A_330 : f32 to vector<1x640xf32>
    %lt3A_332 = arith.cmpf olt, %add3A_309, %lt3A_331 : vector<1x640xf32>
    %and3A_333 = arith.andi %and3A_329, %lt3A_332 : vector<1x640xi1>
    %ge3A_334 = arith.constant 0.000000e+00 : f32
    %ge3A_335 = vector.broadcast %ge3A_334 : f32 to vector<1x640xf32>
    %ge3A_336 = arith.cmpf oge, %add3A_312, %ge3A_335 : vector<1x640xf32>
    %and3A_337 = arith.andi %and3A_333, %ge3A_336 : vector<1x640xi1>
    %lt3A_338 = arith.constant 3.200000e+02 : f32
    %lt3A_339 = vector.broadcast %lt3A_338 : f32 to vector<1x640xf32>
    %lt3A_340 = arith.cmpf olt, %add3A_312, %lt3A_339 : vector<1x640xf32>
    %and3A_341 = arith.andi %and3A_337, %lt3A_340 : vector<1x640xi1>
    %lt3A_342 = arith.constant 16899.998 : f32
    %lt3A_343 = vector.broadcast %lt3A_342 : f32 to vector<1x640xf32>
    %lt3A_344 = arith.cmpf olt, %add3A_300, %lt3A_343 : vector<1x640xf32>
    %and3A_345 = arith.andi %and3A_341, %lt3A_344 : vector<1x640xi1>
    %gt3A_346 = arith.constant 5.120000e+02 : f32
    %gt3A_347 = vector.broadcast %gt3A_346 : f32 to vector<1x640xf32>
    %gt3A_348 = arith.cmpf ogt, %add3A_300, %gt3A_347 : vector<1x640xf32>
    %and3A_349 = arith.andi %and3A_345, %gt3A_348 : vector<1x640xi1>
    %convert_element_type3A_350 = arith.extui %and3A_349 : vector<1x640xi1> to vector<1x640xi32>
    %convert_element_type3A_351 = arith.sitofp %convert_element_type3A_350 : vector<1x640xi32> to vector<1x640xf32>
    %swap3A = arith.constant 0 : index
    %swap3A_352 = arith.constant 0 : index
    %swap3A_353 = vector.load %arg7[%swap3A, %swap3A_352] : memref<8x640xf32, #tpu.memory_space<vmem>>, vector<1x640xf32>
    tpu.vector_store %arg7[%swap3A, %swap3A_352], %convert_element_type3A_351 {strides = array<i32>} : memref<8x640xf32, #tpu.memory_space<vmem>>, vector<1x640xf32>,
    %div3A_354 = arith.constant 8.000000e+00 : f32
    %div3A_355 = vector.broadcast %div3A_354 : f32 to vector<1x640xf32>
    %div3A_356 = arith.divf %slice3A_281, %div3A_355 : vector<1x640xf32>
    %floor3A = math.floor %div3A_356 : vector<1x640xf32>
    %jit3A_357 = arith.constant 0 : i32
    %jit3A_358 = arith.constant 99 : i32
    %convert_element_type3A_359 = arith.sitofp %jit3A_357 : i32 to f32
    %max3A_360 = vector.broadcast %convert_element_type3A_359 : f32 to vector<1x640xf32>
    %max3A_361 = arith.maximumf %max3A_360, %floor3A : vector<1x640xf32>
    %convert_element_type3A_362 = arith.sitofp %jit3A_358 : i32 to f32
    %min3A = vector.broadcast %convert_element_type3A_362 : f32 to vector<1x640xf32>
    %min3A_363 = arith.minimumf %min3A, %max3A_361 : vector<1x640xf32>
    %convert_element_type3A_364 = arith.fptosi %min3A_363 : vector<1x640xf32> to vector<1x640xi32>
    %div3A_365 = arith.constant 8.000000e+00 : f32
    %div3A_366 = vector.broadcast %div3A_365 : f32 to vector<1x640xf32>
    %div3A_367 = arith.divf %slice3A_282, %div3A_366 : vector<1x640xf32>
    %floor3A_368 = math.floor %div3A_367 : vector<1x640xf32>
    %jit3A_369 = arith.constant 0 : i32
    %jit3A_370 = arith.constant 39 : i32
    %convert_element_type3A_371 = arith.sitofp %jit3A_369 : i32 to f32
    %max3A_372 = vector.broadcast %convert_element_type3A_371 : f32 to vector<1x640xf32>
    %max3A_373 = arith.maximumf %max3A_372, %floor3A_368 : vector<1x640xf32>
    %convert_element_type3A_374 = arith.sitofp %jit3A_370 : i32 to f32
    %min3A_375 = vector.broadcast %convert_element_type3A_374 : f32 to vector<1x640xf32>
    %min3A_376 = arith.minimumf %min3A_375, %max3A_373 : vector<1x640xf32>
    %convert_element_type3A_377 = arith.fptosi %min3A_376 : vector<1x640xf32> to vector<1x640xi32>
    %mul3A_378 = arith.constant 100 : i32
    %mul3A_379 = vector.broadcast %mul3A_378 : i32 to vector<1x640xi32>
    %mul3A_380 = arith.muli %convert_element_type3A_377, %mul3A_379 : vector<1x640xi32>
    %add3A_381 = arith.addi %mul3A_380, %convert_element_type3A_364 : vector<1x640xi32>
    %swap3A_382 = arith.constant 0 : index
    %swap3A_383 = arith.constant 0 : index
    %swap3A_384 = vector.load %arg8[%swap3A_382, %swap3A_383] : memref<8x640xi32, #tpu.memory_space<vmem>>, vector<1x640xi32>
    tpu.vector_store %arg8[%swap3A_382, %swap3A_383], %add3A_381 {strides = array<i32>} : memref<8x640xi32, #tpu.memory_space<vmem>>, vector<1x640xi32>,
    %slice3A_385 = vector.extract_strided_slice %mul3A_6 {offsets = [0, 640], sizes = [1, 640], strides = [1, 1]} : vector<1x5120xf32> to vector<1x640xf32>
    %slice3A_386 = vector.extract_strided_slice %mul3A_12 {offsets = [0, 640], sizes = [1, 640], strides = [1, 1]} : vector<1x5120xf32> to vector<1x640xf32>
    %mul3A_387 = arith.mulf %slice3A_385, %slice3A_385 : vector<1x640xf32>
    %mul3A_388 = arith.mulf %slice3A_386, %slice3A_386 : vector<1x640xf32>
    %add3A_389 = arith.addf %mul3A_387, %mul3A_388 : vector<1x640xf32>
    %add3A_390 = vector.broadcast %add3A_389 : vector<1x640xf32> to vector<360x640xf32>
    %add3A_391 = vector.broadcast %add3A_54 : vector<360x1xf32> to vector<360x640xf32>
    %add3A_392 = arith.addf %add3A_390, %add3A_391 : vector<360x640xf32>
    %slice3A_393 = vector.extract_strided_slice %dot_general3A_280 {offsets = [0, 640], sizes = [360, 640], strides = [1, 1]} : vector<360x5120xf32> to vector<360x640xf32>
    %mul3A_394 = arith.constant 2.000000e+00 : f32
    %mul3A_395 = vector.broadcast %mul3A_394 : f32 to vector<360x640xf32>
    %mul3A_396 = arith.mulf %mul3A_395, %slice3A_393 : vector<360x640xf32>
    %sub3A_397 = arith.subf %add3A_392, %mul3A_396 : vector<360x640xf32>
    %reduce_min3A_398 = arith.constant dense<0x7F800000> : vector<640xf32>
    %reduce_min3A_399 = vector.multi_reduction <minimumf>, %sub3A_397, %reduce_min3A_398 [0] : vector<360x640xf32> to vector<640xf32>
    %broadcast_in_dim3A_400 = vector.shape_cast %reduce_min3A_399 : vector<640xf32> to vector<1x640xf32>
    %max3A_401 = arith.constant 0.000000e+00 : f32
    %max3A_402 = vector.broadcast %max3A_401 : f32 to vector<1x640xf32>
    %max3A_403 = arith.maximumf %broadcast_in_dim3A_400, %max3A_402 : vector<1x640xf32>
    %add3A_404 = arith.constant 9.99999996E-13 : f32
    %add3A_405 = vector.broadcast %add3A_404 : f32 to vector<1x640xf32>
    %add3A_406 = arith.addf %max3A_403, %add3A_405 : vector<1x640xf32>
    %sub3A_407 = arith.constant 1.600000e+01 : f32
    %sub3A_408 = vector.broadcast %sub3A_407 : f32 to vector<1x640xf32>
    %sub3A_409 = arith.subf %slice3A_385, %sub3A_408 : vector<1x640xf32>
    %sub3A_410 = arith.constant 1.600000e+01 : f32
    %sub3A_411 = vector.broadcast %sub3A_410 : f32 to vector<1x640xf32>
    %sub3A_412 = arith.subf %slice3A_386, %sub3A_411 : vector<1x640xf32>
    %add3A_413 = arith.constant 1.600000e+01 : f32
    %add3A_414 = vector.broadcast %add3A_413 : f32 to vector<1x640xf32>
    %add3A_415 = arith.addf %slice3A_385, %add3A_414 : vector<1x640xf32>
    %add3A_416 = arith.constant 1.600000e+01 : f32
    %add3A_417 = vector.broadcast %add3A_416 : f32 to vector<1x640xf32>
    %add3A_418 = arith.addf %slice3A_386, %add3A_417 : vector<1x640xf32>
    %gt3A_419 = arith.constant 0.000000e+00 : f32
    %gt3A_420 = vector.broadcast %gt3A_419 : f32 to vector<1x640xf32>
    %gt3A_421 = arith.cmpf ogt, %sub3A_409, %gt3A_420 : vector<1x640xf32>
    %lt3A_422 = arith.constant 8.000000e+02 : f32
    %lt3A_423 = vector.broadcast %lt3A_422 : f32 to vector<1x640xf32>
    %lt3A_424 = arith.cmpf olt, %sub3A_409, %lt3A_423 : vector<1x640xf32>
    %and3A_425 = arith.andi %gt3A_421, %lt3A_424 : vector<1x640xi1>
    %ge3A_426 = arith.constant 0.000000e+00 : f32
    %ge3A_427 = vector.broadcast %ge3A_426 : f32 to vector<1x640xf32>
    %ge3A_428 = arith.cmpf oge, %sub3A_412, %ge3A_427 : vector<1x640xf32>
    %and3A_429 = arith.andi %and3A_425, %ge3A_428 : vector<1x640xi1>
    %lt3A_430 = arith.constant 3.200000e+02 : f32
    %lt3A_431 = vector.broadcast %lt3A_430 : f32 to vector<1x640xf32>
    %lt3A_432 = arith.cmpf olt, %sub3A_412, %lt3A_431 : vector<1x640xf32>
    %and3A_433 = arith.andi %and3A_429, %lt3A_432 : vector<1x640xi1>
    %ge3A_434 = arith.constant 0.000000e+00 : f32
    %ge3A_435 = vector.broadcast %ge3A_434 : f32 to vector<1x640xf32>
    %ge3A_436 = arith.cmpf oge, %add3A_415, %ge3A_435 : vector<1x640xf32>
    %and3A_437 = arith.andi %and3A_433, %ge3A_436 : vector<1x640xi1>
    %lt3A_438 = arith.constant 8.000000e+02 : f32
    %lt3A_439 = vector.broadcast %lt3A_438 : f32 to vector<1x640xf32>
    %lt3A_440 = arith.cmpf olt, %add3A_415, %lt3A_439 : vector<1x640xf32>
    %and3A_441 = arith.andi %and3A_437, %lt3A_440 : vector<1x640xi1>
    %ge3A_442 = arith.constant 0.000000e+00 : f32
    %ge3A_443 = vector.broadcast %ge3A_442 : f32 to vector<1x640xf32>
    %ge3A_444 = arith.cmpf oge, %add3A_418, %ge3A_443 : vector<1x640xf32>
    %and3A_445 = arith.andi %and3A_441, %ge3A_444 : vector<1x640xi1>
    %lt3A_446 = arith.constant 3.200000e+02 : f32
    %lt3A_447 = vector.broadcast %lt3A_446 : f32 to vector<1x640xf32>
    %lt3A_448 = arith.cmpf olt, %add3A_418, %lt3A_447 : vector<1x640xf32>
    %and3A_449 = arith.andi %and3A_445, %lt3A_448 : vector<1x640xi1>
    %lt3A_450 = arith.constant 16899.998 : f32
    %lt3A_451 = vector.broadcast %lt3A_450 : f32 to vector<1x640xf32>
    %lt3A_452 = arith.cmpf olt, %add3A_406, %lt3A_451 : vector<1x640xf32>
    %and3A_453 = arith.andi %and3A_449, %lt3A_452 : vector<1x640xi1>
    %gt3A_454 = arith.constant 5.120000e+02 : f32
    %gt3A_455 = vector.broadcast %gt3A_454 : f32 to vector<1x640xf32>
    %gt3A_456 = arith.cmpf ogt, %add3A_406, %gt3A_455 : vector<1x640xf32>
    %and3A_457 = arith.andi %and3A_453, %gt3A_456 : vector<1x640xi1>
    %convert_element_type3A_458 = arith.extui %and3A_457 : vector<1x640xi1> to vector<1x640xi32>
    %convert_element_type3A_459 = arith.sitofp %convert_element_type3A_458 : vector<1x640xi32> to vector<1x640xf32>
    %swap3A_460 = arith.constant 1 : index
    %swap3A_461 = arith.constant 0 : index
    %swap3A_462 = vector.load %arg7[%swap3A_460, %swap3A_461] : memref<8x640xf32, #tpu.memory_space<vmem>>, vector<1x640xf32>
    tpu.vector_store %arg7[%swap3A_460, %swap3A_461], %convert_element_type3A_459 {strides = array<i32>} : memref<8x640xf32, #tpu.memory_space<vmem>>, vector<1x640xf32>,
    %div3A_463 = arith.constant 8.000000e+00 : f32
    %div3A_464 = vector.broadcast %div3A_463 : f32 to vector<1x640xf32>
    %div3A_465 = arith.divf %slice3A_385, %div3A_464 : vector<1x640xf32>
    %floor3A_466 = math.floor %div3A_465 : vector<1x640xf32>
    %jit3A_467 = arith.constant 0 : i32
    %jit3A_468 = arith.constant 99 : i32
    %convert_element_type3A_469 = arith.sitofp %jit3A_467 : i32 to f32
    %max3A_470 = vector.broadcast %convert_element_type3A_469 : f32 to vector<1x640xf32>
    %max3A_471 = arith.maximumf %max3A_470, %floor3A_466 : vector<1x640xf32>
    %convert_element_type3A_472 = arith.sitofp %jit3A_468 : i32 to f32
    %min3A_473 = vector.broadcast %convert_element_type3A_472 : f32 to vector<1x640xf32>
    %min3A_474 = arith.minimumf %min3A_473, %max3A_471 : vector<1x640xf32>
    %convert_element_type3A_475 = arith.fptosi %min3A_474 : vector<1x640xf32> to vector<1x640xi32>
    %div3A_476 = arith.constant 8.000000e+00 : f32
    %div3A_477 = vector.broadcast %div3A_476 : f32 to vector<1x640xf32>
    %div3A_478 = arith.divf %slice3A_386, %div3A_477 : vector<1x640xf32>
    %floor3A_479 = math.floor %div3A_478 : vector<1x640xf32>
    %jit3A_480 = arith.constant 0 : i32
    %jit3A_481 = arith.constant 39 : i32
    %convert_element_type3A_482 = arith.sitofp %jit3A_480 : i32 to f32
    %max3A_483 = vector.broadcast %convert_element_type3A_482 : f32 to vector<1x640xf32>
    %max3A_484 = arith.maximumf %max3A_483, %floor3A_479 : vector<1x640xf32>
    %convert_element_type3A_485 = arith.sitofp %jit3A_481 : i32 to f32
    %min3A_486 = vector.broadcast %convert_element_type3A_485 : f32 to vector<1x640xf32>
    %min3A_487 = arith.minimumf %min3A_486, %max3A_484 : vector<1x640xf32>
    %convert_element_type3A_488 = arith.fptosi %min3A_487 : vector<1x640xf32> to vector<1x640xi32>
    %mul3A_489 = arith.constant 100 : i32
    %mul3A_490 = vector.broadcast %mul3A_489 : i32 to vector<1x640xi32>
    %mul3A_491 = arith.muli %convert_element_type3A_488, %mul3A_490 : vector<1x640xi32>
    %add3A_492 = arith.addi %mul3A_491, %convert_element_type3A_475 : vector<1x640xi32>
    %swap3A_493 = arith.constant 1 : index
    %swap3A_494 = arith.constant 0 : index
    %swap3A_495 = vector.load %arg8[%swap3A_493, %swap3A_494] : memref<8x640xi32, #tpu.memory_space<vmem>>, vector<1x640xi32>
    tpu.vector_store %arg8[%swap3A_493, %swap3A_494], %add3A_492 {strides = array<i32>} : memref<8x640xi32, #tpu.memory_space<vmem>>, vector<1x640xi32>,
    %slice3A_496 = vector.extract_strided_slice %mul3A_6 {offsets = [0, 1280], sizes = [1, 640], strides = [1, 1]} : vector<1x5120xf32> to vector<1x640xf32>
    %slice3A_497 = vector.extract_strided_slice %mul3A_12 {offsets = [0, 1280], sizes = [1, 640], strides = [1, 1]} : vector<1x5120xf32> to vector<1x640xf32>
    %mul3A_498 = arith.mulf %slice3A_496, %slice3A_496 : vector<1x640xf32>
    %mul3A_499 = arith.mulf %slice3A_497, %slice3A_497 : vector<1x640xf32>
    %add3A_500 = arith.addf %mul3A_498, %mul3A_499 : vector<1x640xf32>
    %add3A_501 = vector.broadcast %add3A_500 : vector<1x640xf32> to vector<360x640xf32>
    %add3A_502 = vector.broadcast %add3A_77 : vector<360x1xf32> to vector<360x640xf32>
    %add3A_503 = arith.addf %add3A_501, %add3A_502 : vector<360x640xf32>
    %slice3A_504 = vector.extract_strided_slice %dot_general3A_280 {offsets = [0, 1280], sizes = [360, 640], strides = [1, 1]} : vector<360x5120xf32> to vector<360x640xf32>
    %mul3A_505 = arith.constant 2.000000e+00 : f32
    %mul3A_506 = vector.broadcast %mul3A_505 : f32 to vector<360x640xf32>
    %mul3A_507 = arith.mulf %mul3A_506, %slice3A_504 : vector<360x640xf32>
    %sub3A_508 = arith.subf %add3A_503, %mul3A_507 : vector<360x640xf32>
    %reduce_min3A_509 = arith.constant dense<0x7F800000> : vector<640xf32>
    %reduce_min3A_510 = vector.multi_reduction <minimumf>, %sub3A_508, %reduce_min3A_509 [0] : vector<360x640xf32> to vector<640xf32>
    %broadcast_in_dim3A_511 = vector.shape_cast %reduce_min3A_510 : vector<640xf32> to vector<1x640xf32>
    %max3A_512 = arith.constant 0.000000e+00 : f32
    %max3A_513 = vector.broadcast %max3A_512 : f32 to vector<1x640xf32>
    %max3A_514 = arith.maximumf %broadcast_in_dim3A_511, %max3A_513 : vector<1x640xf32>
    %add3A_515 = arith.constant 9.99999996E-13 : f32
    %add3A_516 = vector.broadcast %add3A_515 : f32 to vector<1x640xf32>
    %add3A_517 = arith.addf %max3A_514, %add3A_516 : vector<1x640xf32>
    %sub3A_518 = arith.constant 1.600000e+01 : f32
    %sub3A_519 = vector.broadcast %sub3A_518 : f32 to vector<1x640xf32>
    %sub3A_520 = arith.subf %slice3A_496, %sub3A_519 : vector<1x640xf32>
    %sub3A_521 = arith.constant 1.600000e+01 : f32
    %sub3A_522 = vector.broadcast %sub3A_521 : f32 to vector<1x640xf32>
    %sub3A_523 = arith.subf %slice3A_497, %sub3A_522 : vector<1x640xf32>
    %add3A_524 = arith.constant 1.600000e+01 : f32
    %add3A_525 = vector.broadcast %add3A_524 : f32 to vector<1x640xf32>
    %add3A_526 = arith.addf %slice3A_496, %add3A_525 : vector<1x640xf32>
    %add3A_527 = arith.constant 1.600000e+01 : f32
    %add3A_528 = vector.broadcast %add3A_527 : f32 to vector<1x640xf32>
    %add3A_529 = arith.addf %slice3A_497, %add3A_528 : vector<1x640xf32>
    %gt3A_530 = arith.constant 0.000000e+00 : f32
    %gt3A_531 = vector.broadcast %gt3A_530 : f32 to vector<1x640xf32>
    %gt3A_532 = arith.cmpf ogt, %sub3A_520, %gt3A_531 : vector<1x640xf32>
    %lt3A_533 = arith.constant 8.000000e+02 : f32
    %lt3A_534 = vector.broadcast %lt3A_533 : f32 to vector<1x640xf32>
    %lt3A_535 = arith.cmpf olt, %sub3A_520, %lt3A_534 : vector<1x640xf32>
    %and3A_536 = arith.andi %gt3A_532, %lt3A_535 : vector<1x640xi1>
    %ge3A_537 = arith.constant 0.000000e+00 : f32
    %ge3A_538 = vector.broadcast %ge3A_537 : f32 to vector<1x640xf32>
    %ge3A_539 = arith.cmpf oge, %sub3A_523, %ge3A_538 : vector<1x640xf32>
    %and3A_540 = arith.andi %and3A_536, %ge3A_539 : vector<1x640xi1>
    %lt3A_541 = arith.constant 3.200000e+02 : f32
    %lt3A_542 = vector.broadcast %lt3A_541 : f32 to vector<1x640xf32>
    %lt3A_543 = arith.cmpf olt, %sub3A_523, %lt3A_542 : vector<1x640xf32>
    %and3A_544 = arith.andi %and3A_540, %lt3A_543 : vector<1x640xi1>
    %ge3A_545 = arith.constant 0.000000e+00 : f32
    %ge3A_546 = vector.broadcast %ge3A_545 : f32 to vector<1x640xf32>
    %ge3A_547 = arith.cmpf oge, %add3A_526, %ge3A_546 : vector<1x640xf32>
    %and3A_548 = arith.andi %and3A_544, %ge3A_547 : vector<1x640xi1>
    %lt3A_549 = arith.constant 8.000000e+02 : f32
    %lt3A_550 = vector.broadcast %lt3A_549 : f32 to vector<1x640xf32>
    %lt3A_551 = arith.cmpf olt, %add3A_526, %lt3A_550 : vector<1x640xf32>
    %and3A_552 = arith.andi %and3A_548, %lt3A_551 : vector<1x640xi1>
    %ge3A_553 = arith.constant 0.000000e+00 : f32
    %ge3A_554 = vector.broadcast %ge3A_553 : f32 to vector<1x640xf32>
    %ge3A_555 = arith.cmpf oge, %add3A_529, %ge3A_554 : vector<1x640xf32>
    %and3A_556 = arith.andi %and3A_552, %ge3A_555 : vector<1x640xi1>
    %lt3A_557 = arith.constant 3.200000e+02 : f32
    %lt3A_558 = vector.broadcast %lt3A_557 : f32 to vector<1x640xf32>
    %lt3A_559 = arith.cmpf olt, %add3A_529, %lt3A_558 : vector<1x640xf32>
    %and3A_560 = arith.andi %and3A_556, %lt3A_559 : vector<1x640xi1>
    %lt3A_561 = arith.constant 16899.998 : f32
    %lt3A_562 = vector.broadcast %lt3A_561 : f32 to vector<1x640xf32>
    %lt3A_563 = arith.cmpf olt, %add3A_517, %lt3A_562 : vector<1x640xf32>
    %and3A_564 = arith.andi %and3A_560, %lt3A_563 : vector<1x640xi1>
    %gt3A_565 = arith.constant 5.120000e+02 : f32
    %gt3A_566 = vector.broadcast %gt3A_565 : f32 to vector<1x640xf32>
    %gt3A_567 = arith.cmpf ogt, %add3A_517, %gt3A_566 : vector<1x640xf32>
    %and3A_568 = arith.andi %and3A_564, %gt3A_567 : vector<1x640xi1>
    %convert_element_type3A_569 = arith.extui %and3A_568 : vector<1x640xi1> to vector<1x640xi32>
    %convert_element_type3A_570 = arith.sitofp %convert_element_type3A_569 : vector<1x640xi32> to vector<1x640xf32>
    %swap3A_571 = arith.constant 2 : index
    %swap3A_572 = arith.constant 0 : index
    %swap3A_573 = vector.load %arg7[%swap3A_571, %swap3A_572] : memref<8x640xf32, #tpu.memory_space<vmem>>, vector<1x640xf32>
    tpu.vector_store %arg7[%swap3A_571, %swap3A_572], %convert_element_type3A_570 {strides = array<i32>} : memref<8x640xf32, #tpu.memory_space<vmem>>, vector<1x640xf32>,
    %div3A_574 = arith.constant 8.000000e+00 : f32
    %div3A_575 = vector.broadcast %div3A_574 : f32 to vector<1x640xf32>
    %div3A_576 = arith.divf %slice3A_496, %div3A_575 : vector<1x640xf32>
    %floor3A_577 = math.floor %div3A_576 : vector<1x640xf32>
    %jit3A_578 = arith.constant 0 : i32
    %jit3A_579 = arith.constant 99 : i32
    %convert_element_type3A_580 = arith.sitofp %jit3A_578 : i32 to f32
    %max3A_581 = vector.broadcast %convert_element_type3A_580 : f32 to vector<1x640xf32>
    %max3A_582 = arith.maximumf %max3A_581, %floor3A_577 : vector<1x640xf32>
    %convert_element_type3A_583 = arith.sitofp %jit3A_579 : i32 to f32
    %min3A_584 = vector.broadcast %convert_element_type3A_583 : f32 to vector<1x640xf32>
    %min3A_585 = arith.minimumf %min3A_584, %max3A_582 : vector<1x640xf32>
    %convert_element_type3A_586 = arith.fptosi %min3A_585 : vector<1x640xf32> to vector<1x640xi32>
    %div3A_587 = arith.constant 8.000000e+00 : f32
    %div3A_588 = vector.broadcast %div3A_587 : f32 to vector<1x640xf32>
    %div3A_589 = arith.divf %slice3A_497, %div3A_588 : vector<1x640xf32>
    %floor3A_590 = math.floor %div3A_589 : vector<1x640xf32>
    %jit3A_591 = arith.constant 0 : i32
    %jit3A_592 = arith.constant 39 : i32
    %convert_element_type3A_593 = arith.sitofp %jit3A_591 : i32 to f32
    %max3A_594 = vector.broadcast %convert_element_type3A_593 : f32 to vector<1x640xf32>
    %max3A_595 = arith.maximumf %max3A_594, %floor3A_590 : vector<1x640xf32>
    %convert_element_type3A_596 = arith.sitofp %jit3A_592 : i32 to f32
    %min3A_597 = vector.broadcast %convert_element_type3A_596 : f32 to vector<1x640xf32>
    %min3A_598 = arith.minimumf %min3A_597, %max3A_595 : vector<1x640xf32>
    %convert_element_type3A_599 = arith.fptosi %min3A_598 : vector<1x640xf32> to vector<1x640xi32>
    %mul3A_600 = arith.constant 100 : i32
    %mul3A_601 = vector.broadcast %mul3A_600 : i32 to vector<1x640xi32>
    %mul3A_602 = arith.muli %convert_element_type3A_599, %mul3A_601 : vector<1x640xi32>
    %add3A_603 = arith.addi %mul3A_602, %convert_element_type3A_586 : vector<1x640xi32>
    %swap3A_604 = arith.constant 2 : index
    %swap3A_605 = arith.constant 0 : index
    %swap3A_606 = vector.load %arg8[%swap3A_604, %swap3A_605] : memref<8x640xi32, #tpu.memory_space<vmem>>, vector<1x640xi32>
    tpu.vector_store %arg8[%swap3A_604, %swap3A_605], %add3A_603 {strides = array<i32>} : memref<8x640xi32, #tpu.memory_space<vmem>>, vector<1x640xi32>,
    %slice3A_607 = vector.extract_strided_slice %mul3A_6 {offsets = [0, 1920], sizes = [1, 640], strides = [1, 1]} : vector<1x5120xf32> to vector<1x640xf32>
    %slice3A_608 = vector.extract_strided_slice %mul3A_12 {offsets = [0, 1920], sizes = [1, 640], strides = [1, 1]} : vector<1x5120xf32> to vector<1x640xf32>
    %mul3A_609 = arith.mulf %slice3A_607, %slice3A_607 : vector<1x640xf32>
    %mul3A_610 = arith.mulf %slice3A_608, %slice3A_608 : vector<1x640xf32>
    %add3A_611 = arith.addf %mul3A_609, %mul3A_610 : vector<1x640xf32>
    %add3A_612 = vector.broadcast %add3A_611 : vector<1x640xf32> to vector<360x640xf32>
    %add3A_613 = vector.broadcast %add3A_100 : vector<360x1xf32> to vector<360x640xf32>
    %add3A_614 = arith.addf %add3A_612, %add3A_613 : vector<360x640xf32>
    %slice3A_615 = vector.extract_strided_slice %dot_general3A_280 {offsets = [0, 1920], sizes = [360, 640], strides = [1, 1]} : vector<360x5120xf32> to vector<360x640xf32>
    %mul3A_616 = arith.constant 2.000000e+00 : f32
    %mul3A_617 = vector.broadcast %mul3A_616 : f32 to vector<360x640xf32>
    %mul3A_618 = arith.mulf %mul3A_617, %slice3A_615 : vector<360x640xf32>
    %sub3A_619 = arith.subf %add3A_614, %mul3A_618 : vector<360x640xf32>
    %reduce_min3A_620 = arith.constant dense<0x7F800000> : vector<640xf32>
    %reduce_min3A_621 = vector.multi_reduction <minimumf>, %sub3A_619, %reduce_min3A_620 [0] : vector<360x640xf32> to vector<640xf32>
    %broadcast_in_dim3A_622 = vector.shape_cast %reduce_min3A_621 : vector<640xf32> to vector<1x640xf32>
    %max3A_623 = arith.constant 0.000000e+00 : f32
    %max3A_624 = vector.broadcast %max3A_623 : f32 to vector<1x640xf32>
    %max3A_625 = arith.maximumf %broadcast_in_dim3A_622, %max3A_624 : vector<1x640xf32>
    %add3A_626 = arith.constant 9.99999996E-13 : f32
    %add3A_627 = vector.broadcast %add3A_626 : f32 to vector<1x640xf32>
    %add3A_628 = arith.addf %max3A_625, %add3A_627 : vector<1x640xf32>
    %sub3A_629 = arith.constant 1.600000e+01 : f32
    %sub3A_630 = vector.broadcast %sub3A_629 : f32 to vector<1x640xf32>
    %sub3A_631 = arith.subf %slice3A_607, %sub3A_630 : vector<1x640xf32>
    %sub3A_632 = arith.constant 1.600000e+01 : f32
    %sub3A_633 = vector.broadcast %sub3A_632 : f32 to vector<1x640xf32>
    %sub3A_634 = arith.subf %slice3A_608, %sub3A_633 : vector<1x640xf32>
    %add3A_635 = arith.constant 1.600000e+01 : f32
    %add3A_636 = vector.broadcast %add3A_635 : f32 to vector<1x640xf32>
    %add3A_637 = arith.addf %slice3A_607, %add3A_636 : vector<1x640xf32>
    %add3A_638 = arith.constant 1.600000e+01 : f32
    %add3A_639 = vector.broadcast %add3A_638 : f32 to vector<1x640xf32>
    %add3A_640 = arith.addf %slice3A_608, %add3A_639 : vector<1x640xf32>
    %gt3A_641 = arith.constant 0.000000e+00 : f32
    %gt3A_642 = vector.broadcast %gt3A_641 : f32 to vector<1x640xf32>
    %gt3A_643 = arith.cmpf ogt, %sub3A_631, %gt3A_642 : vector<1x640xf32>
    %lt3A_644 = arith.constant 8.000000e+02 : f32
    %lt3A_645 = vector.broadcast %lt3A_644 : f32 to vector<1x640xf32>
    %lt3A_646 = arith.cmpf olt, %sub3A_631, %lt3A_645 : vector<1x640xf32>
    %and3A_647 = arith.andi %gt3A_643, %lt3A_646 : vector<1x640xi1>
    %ge3A_648 = arith.constant 0.000000e+00 : f32
    %ge3A_649 = vector.broadcast %ge3A_648 : f32 to vector<1x640xf32>
    %ge3A_650 = arith.cmpf oge, %sub3A_634, %ge3A_649 : vector<1x640xf32>
    %and3A_651 = arith.andi %and3A_647, %ge3A_650 : vector<1x640xi1>
    %lt3A_652 = arith.constant 3.200000e+02 : f32
    %lt3A_653 = vector.broadcast %lt3A_652 : f32 to vector<1x640xf32>
    %lt3A_654 = arith.cmpf olt, %sub3A_634, %lt3A_653 : vector<1x640xf32>
    %and3A_655 = arith.andi %and3A_651, %lt3A_654 : vector<1x640xi1>
    %ge3A_656 = arith.constant 0.000000e+00 : f32
    %ge3A_657 = vector.broadcast %ge3A_656 : f32 to vector<1x640xf32>
    %ge3A_658 = arith.cmpf oge, %add3A_637, %ge3A_657 : vector<1x640xf32>
    %and3A_659 = arith.andi %and3A_655, %ge3A_658 : vector<1x640xi1>
    %lt3A_660 = arith.constant 8.000000e+02 : f32
    %lt3A_661 = vector.broadcast %lt3A_660 : f32 to vector<1x640xf32>
    %lt3A_662 = arith.cmpf olt, %add3A_637, %lt3A_661 : vector<1x640xf32>
    %and3A_663 = arith.andi %and3A_659, %lt3A_662 : vector<1x640xi1>
    %ge3A_664 = arith.constant 0.000000e+00 : f32
    %ge3A_665 = vector.broadcast %ge3A_664 : f32 to vector<1x640xf32>
    %ge3A_666 = arith.cmpf oge, %add3A_640, %ge3A_665 : vector<1x640xf32>
    %and3A_667 = arith.andi %and3A_663, %ge3A_666 : vector<1x640xi1>
    %lt3A_668 = arith.constant 3.200000e+02 : f32
    %lt3A_669 = vector.broadcast %lt3A_668 : f32 to vector<1x640xf32>
    %lt3A_670 = arith.cmpf olt, %add3A_640, %lt3A_669 : vector<1x640xf32>
    %and3A_671 = arith.andi %and3A_667, %lt3A_670 : vector<1x640xi1>
    %lt3A_672 = arith.constant 16899.998 : f32
    %lt3A_673 = vector.broadcast %lt3A_672 : f32 to vector<1x640xf32>
    %lt3A_674 = arith.cmpf olt, %add3A_628, %lt3A_673 : vector<1x640xf32>
    %and3A_675 = arith.andi %and3A_671, %lt3A_674 : vector<1x640xi1>
    %gt3A_676 = arith.constant 5.120000e+02 : f32
    %gt3A_677 = vector.broadcast %gt3A_676 : f32 to vector<1x640xf32>
    %gt3A_678 = arith.cmpf ogt, %add3A_628, %gt3A_677 : vector<1x640xf32>
    %and3A_679 = arith.andi %and3A_675, %gt3A_678 : vector<1x640xi1>
    %convert_element_type3A_680 = arith.extui %and3A_679 : vector<1x640xi1> to vector<1x640xi32>
    %convert_element_type3A_681 = arith.sitofp %convert_element_type3A_680 : vector<1x640xi32> to vector<1x640xf32>
    %swap3A_682 = arith.constant 3 : index
    %swap3A_683 = arith.constant 0 : index
    %swap3A_684 = vector.load %arg7[%swap3A_682, %swap3A_683] : memref<8x640xf32, #tpu.memory_space<vmem>>, vector<1x640xf32>
    tpu.vector_store %arg7[%swap3A_682, %swap3A_683], %convert_element_type3A_681 {strides = array<i32>} : memref<8x640xf32, #tpu.memory_space<vmem>>, vector<1x640xf32>,
    %div3A_685 = arith.constant 8.000000e+00 : f32
    %div3A_686 = vector.broadcast %div3A_685 : f32 to vector<1x640xf32>
    %div3A_687 = arith.divf %slice3A_607, %div3A_686 : vector<1x640xf32>
    %floor3A_688 = math.floor %div3A_687 : vector<1x640xf32>
    %jit3A_689 = arith.constant 0 : i32
    %jit3A_690 = arith.constant 99 : i32
    %convert_element_type3A_691 = arith.sitofp %jit3A_689 : i32 to f32
    %max3A_692 = vector.broadcast %convert_element_type3A_691 : f32 to vector<1x640xf32>
    %max3A_693 = arith.maximumf %max3A_692, %floor3A_688 : vector<1x640xf32>
    %convert_element_type3A_694 = arith.sitofp %jit3A_690 : i32 to f32
    %min3A_695 = vector.broadcast %convert_element_type3A_694 : f32 to vector<1x640xf32>
    %min3A_696 = arith.minimumf %min3A_695, %max3A_693 : vector<1x640xf32>
    %convert_element_type3A_697 = arith.fptosi %min3A_696 : vector<1x640xf32> to vector<1x640xi32>
    %div3A_698 = arith.constant 8.000000e+00 : f32
    %div3A_699 = vector.broadcast %div3A_698 : f32 to vector<1x640xf32>
    %div3A_700 = arith.divf %slice3A_608, %div3A_699 : vector<1x640xf32>
    %floor3A_701 = math.floor %div3A_700 : vector<1x640xf32>
    %jit3A_702 = arith.constant 0 : i32
    %jit3A_703 = arith.constant 39 : i32
    %convert_element_type3A_704 = arith.sitofp %jit3A_702 : i32 to f32
    %max3A_705 = vector.broadcast %convert_element_type3A_704 : f32 to vector<1x640xf32>
    %max3A_706 = arith.maximumf %max3A_705, %floor3A_701 : vector<1x640xf32>
    %convert_element_type3A_707 = arith.sitofp %jit3A_703 : i32 to f32
    %min3A_708 = vector.broadcast %convert_element_type3A_707 : f32 to vector<1x640xf32>
    %min3A_709 = arith.minimumf %min3A_708, %max3A_706 : vector<1x640xf32>
    %convert_element_type3A_710 = arith.fptosi %min3A_709 : vector<1x640xf32> to vector<1x640xi32>
    %mul3A_711 = arith.constant 100 : i32
    %mul3A_712 = vector.broadcast %mul3A_711 : i32 to vector<1x640xi32>
    %mul3A_713 = arith.muli %convert_element_type3A_710, %mul3A_712 : vector<1x640xi32>
    %add3A_714 = arith.addi %mul3A_713, %convert_element_type3A_697 : vector<1x640xi32>
    %swap3A_715 = arith.constant 3 : index
    %swap3A_716 = arith.constant 0 : index
    %swap3A_717 = vector.load %arg8[%swap3A_715, %swap3A_716] : memref<8x640xi32, #tpu.memory_space<vmem>>, vector<1x640xi32>
    tpu.vector_store %arg8[%swap3A_715, %swap3A_716], %add3A_714 {strides = array<i32>} : memref<8x640xi32, #tpu.memory_space<vmem>>, vector<1x640xi32>,
    %slice3A_718 = vector.extract_strided_slice %mul3A_6 {offsets = [0, 2560], sizes = [1, 640], strides = [1, 1]} : vector<1x5120xf32> to vector<1x640xf32>
    %slice3A_719 = vector.extract_strided_slice %mul3A_12 {offsets = [0, 2560], sizes = [1, 640], strides = [1, 1]} : vector<1x5120xf32> to vector<1x640xf32>
    %mul3A_720 = arith.mulf %slice3A_718, %slice3A_718 : vector<1x640xf32>
    %mul3A_721 = arith.mulf %slice3A_719, %slice3A_719 : vector<1x640xf32>
    %add3A_722 = arith.addf %mul3A_720, %mul3A_721 : vector<1x640xf32>
    %add3A_723 = vector.broadcast %add3A_722 : vector<1x640xf32> to vector<360x640xf32>
    %add3A_724 = vector.broadcast %add3A_123 : vector<360x1xf32> to vector<360x640xf32>
    %add3A_725 = arith.addf %add3A_723, %add3A_724 : vector<360x640xf32>
    %slice3A_726 = vector.extract_strided_slice %dot_general3A_280 {offsets = [0, 2560], sizes = [360, 640], strides = [1, 1]} : vector<360x5120xf32> to vector<360x640xf32>
    %mul3A_727 = arith.constant 2.000000e+00 : f32
    %mul3A_728 = vector.broadcast %mul3A_727 : f32 to vector<360x640xf32>
    %mul3A_729 = arith.mulf %mul3A_728, %slice3A_726 : vector<360x640xf32>
    %sub3A_730 = arith.subf %add3A_725, %mul3A_729 : vector<360x640xf32>
    %reduce_min3A_731 = arith.constant dense<0x7F800000> : vector<640xf32>
    %reduce_min3A_732 = vector.multi_reduction <minimumf>, %sub3A_730, %reduce_min3A_731 [0] : vector<360x640xf32> to vector<640xf32>
    %broadcast_in_dim3A_733 = vector.shape_cast %reduce_min3A_732 : vector<640xf32> to vector<1x640xf32>
    %max3A_734 = arith.constant 0.000000e+00 : f32
    %max3A_735 = vector.broadcast %max3A_734 : f32 to vector<1x640xf32>
    %max3A_736 = arith.maximumf %broadcast_in_dim3A_733, %max3A_735 : vector<1x640xf32>
    %add3A_737 = arith.constant 9.99999996E-13 : f32
    %add3A_738 = vector.broadcast %add3A_737 : f32 to vector<1x640xf32>
    %add3A_739 = arith.addf %max3A_736, %add3A_738 : vector<1x640xf32>
    %sub3A_740 = arith.constant 1.600000e+01 : f32
    %sub3A_741 = vector.broadcast %sub3A_740 : f32 to vector<1x640xf32>
    %sub3A_742 = arith.subf %slice3A_718, %sub3A_741 : vector<1x640xf32>
    %sub3A_743 = arith.constant 1.600000e+01 : f32
    %sub3A_744 = vector.broadcast %sub3A_743 : f32 to vector<1x640xf32>
    %sub3A_745 = arith.subf %slice3A_719, %sub3A_744 : vector<1x640xf32>
    %add3A_746 = arith.constant 1.600000e+01 : f32
    %add3A_747 = vector.broadcast %add3A_746 : f32 to vector<1x640xf32>
    %add3A_748 = arith.addf %slice3A_718, %add3A_747 : vector<1x640xf32>
    %add3A_749 = arith.constant 1.600000e+01 : f32
    %add3A_750 = vector.broadcast %add3A_749 : f32 to vector<1x640xf32>
    %add3A_751 = arith.addf %slice3A_719, %add3A_750 : vector<1x640xf32>
    %gt3A_752 = arith.constant 0.000000e+00 : f32
    %gt3A_753 = vector.broadcast %gt3A_752 : f32 to vector<1x640xf32>
    %gt3A_754 = arith.cmpf ogt, %sub3A_742, %gt3A_753 : vector<1x640xf32>
    %lt3A_755 = arith.constant 8.000000e+02 : f32
    %lt3A_756 = vector.broadcast %lt3A_755 : f32 to vector<1x640xf32>
    %lt3A_757 = arith.cmpf olt, %sub3A_742, %lt3A_756 : vector<1x640xf32>
    %and3A_758 = arith.andi %gt3A_754, %lt3A_757 : vector<1x640xi1>
    %ge3A_759 = arith.constant 0.000000e+00 : f32
    %ge3A_760 = vector.broadcast %ge3A_759 : f32 to vector<1x640xf32>
    %ge3A_761 = arith.cmpf oge, %sub3A_745, %ge3A_760 : vector<1x640xf32>
    %and3A_762 = arith.andi %and3A_758, %ge3A_761 : vector<1x640xi1>
    %lt3A_763 = arith.constant 3.200000e+02 : f32
    %lt3A_764 = vector.broadcast %lt3A_763 : f32 to vector<1x640xf32>
    %lt3A_765 = arith.cmpf olt, %sub3A_745, %lt3A_764 : vector<1x640xf32>
    %and3A_766 = arith.andi %and3A_762, %lt3A_765 : vector<1x640xi1>
    %ge3A_767 = arith.constant 0.000000e+00 : f32
    %ge3A_768 = vector.broadcast %ge3A_767 : f32 to vector<1x640xf32>
    %ge3A_769 = arith.cmpf oge, %add3A_748, %ge3A_768 : vector<1x640xf32>
    %and3A_770 = arith.andi %and3A_766, %ge3A_769 : vector<1x640xi1>
    %lt3A_771 = arith.constant 8.000000e+02 : f32
    %lt3A_772 = vector.broadcast %lt3A_771 : f32 to vector<1x640xf32>
    %lt3A_773 = arith.cmpf olt, %add3A_748, %lt3A_772 : vector<1x640xf32>
    %and3A_774 = arith.andi %and3A_770, %lt3A_773 : vector<1x640xi1>
    %ge3A_775 = arith.constant 0.000000e+00 : f32
    %ge3A_776 = vector.broadcast %ge3A_775 : f32 to vector<1x640xf32>
    %ge3A_777 = arith.cmpf oge, %add3A_751, %ge3A_776 : vector<1x640xf32>
    %and3A_778 = arith.andi %and3A_774, %ge3A_777 : vector<1x640xi1>
    %lt3A_779 = arith.constant 3.200000e+02 : f32
    %lt3A_780 = vector.broadcast %lt3A_779 : f32 to vector<1x640xf32>
    %lt3A_781 = arith.cmpf olt, %add3A_751, %lt3A_780 : vector<1x640xf32>
    %and3A_782 = arith.andi %and3A_778, %lt3A_781 : vector<1x640xi1>
    %lt3A_783 = arith.constant 16899.998 : f32
    %lt3A_784 = vector.broadcast %lt3A_783 : f32 to vector<1x640xf32>
    %lt3A_785 = arith.cmpf olt, %add3A_739, %lt3A_784 : vector<1x640xf32>
    %and3A_786 = arith.andi %and3A_782, %lt3A_785 : vector<1x640xi1>
    %gt3A_787 = arith.constant 5.120000e+02 : f32
    %gt3A_788 = vector.broadcast %gt3A_787 : f32 to vector<1x640xf32>
    %gt3A_789 = arith.cmpf ogt, %add3A_739, %gt3A_788 : vector<1x640xf32>
    %and3A_790 = arith.andi %and3A_786, %gt3A_789 : vector<1x640xi1>
    %convert_element_type3A_791 = arith.extui %and3A_790 : vector<1x640xi1> to vector<1x640xi32>
    %convert_element_type3A_792 = arith.sitofp %convert_element_type3A_791 : vector<1x640xi32> to vector<1x640xf32>
    %swap3A_793 = arith.constant 4 : index
    %swap3A_794 = arith.constant 0 : index
    %swap3A_795 = vector.load %arg7[%swap3A_793, %swap3A_794] : memref<8x640xf32, #tpu.memory_space<vmem>>, vector<1x640xf32>
    tpu.vector_store %arg7[%swap3A_793, %swap3A_794], %convert_element_type3A_792 {strides = array<i32>} : memref<8x640xf32, #tpu.memory_space<vmem>>, vector<1x640xf32>,
    %div3A_796 = arith.constant 8.000000e+00 : f32
    %div3A_797 = vector.broadcast %div3A_796 : f32 to vector<1x640xf32>
    %div3A_798 = arith.divf %slice3A_718, %div3A_797 : vector<1x640xf32>
    %floor3A_799 = math.floor %div3A_798 : vector<1x640xf32>
    %jit3A_800 = arith.constant 0 : i32
    %jit3A_801 = arith.constant 99 : i32
    %convert_element_type3A_802 = arith.sitofp %jit3A_800 : i32 to f32
    %max3A_803 = vector.broadcast %convert_element_type3A_802 : f32 to vector<1x640xf32>
    %max3A_804 = arith.maximumf %max3A_803, %floor3A_799 : vector<1x640xf32>
    %convert_element_type3A_805 = arith.sitofp %jit3A_801 : i32 to f32
    %min3A_806 = vector.broadcast %convert_element_type3A_805 : f32 to vector<1x640xf32>
    %min3A_807 = arith.minimumf %min3A_806, %max3A_804 : vector<1x640xf32>
    %convert_element_type3A_808 = arith.fptosi %min3A_807 : vector<1x640xf32> to vector<1x640xi32>
    %div3A_809 = arith.constant 8.000000e+00 : f32
    %div3A_810 = vector.broadcast %div3A_809 : f32 to vector<1x640xf32>
    %div3A_811 = arith.divf %slice3A_719, %div3A_810 : vector<1x640xf32>
    %floor3A_812 = math.floor %div3A_811 : vector<1x640xf32>
    %jit3A_813 = arith.constant 0 : i32
    %jit3A_814 = arith.constant 39 : i32
    %convert_element_type3A_815 = arith.sitofp %jit3A_813 : i32 to f32
    %max3A_816 = vector.broadcast %convert_element_type3A_815 : f32 to vector<1x640xf32>
    %max3A_817 = arith.maximumf %max3A_816, %floor3A_812 : vector<1x640xf32>
    %convert_element_type3A_818 = arith.sitofp %jit3A_814 : i32 to f32
    %min3A_819 = vector.broadcast %convert_element_type3A_818 : f32 to vector<1x640xf32>
    %min3A_820 = arith.minimumf %min3A_819, %max3A_817 : vector<1x640xf32>
    %convert_element_type3A_821 = arith.fptosi %min3A_820 : vector<1x640xf32> to vector<1x640xi32>
    %mul3A_822 = arith.constant 100 : i32
    %mul3A_823 = vector.broadcast %mul3A_822 : i32 to vector<1x640xi32>
    %mul3A_824 = arith.muli %convert_element_type3A_821, %mul3A_823 : vector<1x640xi32>
    %add3A_825 = arith.addi %mul3A_824, %convert_element_type3A_808 : vector<1x640xi32>
    %swap3A_826 = arith.constant 4 : index
    %swap3A_827 = arith.constant 0 : index
    %swap3A_828 = vector.load %arg8[%swap3A_826, %swap3A_827] : memref<8x640xi32, #tpu.memory_space<vmem>>, vector<1x640xi32>
    tpu.vector_store %arg8[%swap3A_826, %swap3A_827], %add3A_825 {strides = array<i32>} : memref<8x640xi32, #tpu.memory_space<vmem>>, vector<1x640xi32>,
    %slice3A_829 = vector.extract_strided_slice %mul3A_6 {offsets = [0, 3200], sizes = [1, 640], strides = [1, 1]} : vector<1x5120xf32> to vector<1x640xf32>
    %slice3A_830 = vector.extract_strided_slice %mul3A_12 {offsets = [0, 3200], sizes = [1, 640], strides = [1, 1]} : vector<1x5120xf32> to vector<1x640xf32>
    %mul3A_831 = arith.mulf %slice3A_829, %slice3A_829 : vector<1x640xf32>
    %mul3A_832 = arith.mulf %slice3A_830, %slice3A_830 : vector<1x640xf32>
    %add3A_833 = arith.addf %mul3A_831, %mul3A_832 : vector<1x640xf32>
    %add3A_834 = vector.broadcast %add3A_833 : vector<1x640xf32> to vector<360x640xf32>
    %add3A_835 = vector.broadcast %add3A_146 : vector<360x1xf32> to vector<360x640xf32>
    %add3A_836 = arith.addf %add3A_834, %add3A_835 : vector<360x640xf32>
    %slice3A_837 = vector.extract_strided_slice %dot_general3A_280 {offsets = [0, 3200], sizes = [360, 640], strides = [1, 1]} : vector<360x5120xf32> to vector<360x640xf32>
    %mul3A_838 = arith.constant 2.000000e+00 : f32
    %mul3A_839 = vector.broadcast %mul3A_838 : f32 to vector<360x640xf32>
    %mul3A_840 = arith.mulf %mul3A_839, %slice3A_837 : vector<360x640xf32>
    %sub3A_841 = arith.subf %add3A_836, %mul3A_840 : vector<360x640xf32>
    %reduce_min3A_842 = arith.constant dense<0x7F800000> : vector<640xf32>
    %reduce_min3A_843 = vector.multi_reduction <minimumf>, %sub3A_841, %reduce_min3A_842 [0] : vector<360x640xf32> to vector<640xf32>
    %broadcast_in_dim3A_844 = vector.shape_cast %reduce_min3A_843 : vector<640xf32> to vector<1x640xf32>
    %max3A_845 = arith.constant 0.000000e+00 : f32
    %max3A_846 = vector.broadcast %max3A_845 : f32 to vector<1x640xf32>
    %max3A_847 = arith.maximumf %broadcast_in_dim3A_844, %max3A_846 : vector<1x640xf32>
    %add3A_848 = arith.constant 9.99999996E-13 : f32
    %add3A_849 = vector.broadcast %add3A_848 : f32 to vector<1x640xf32>
    %add3A_850 = arith.addf %max3A_847, %add3A_849 : vector<1x640xf32>
    %sub3A_851 = arith.constant 1.600000e+01 : f32
    %sub3A_852 = vector.broadcast %sub3A_851 : f32 to vector<1x640xf32>
    %sub3A_853 = arith.subf %slice3A_829, %sub3A_852 : vector<1x640xf32>
    %sub3A_854 = arith.constant 1.600000e+01 : f32
    %sub3A_855 = vector.broadcast %sub3A_854 : f32 to vector<1x640xf32>
    %sub3A_856 = arith.subf %slice3A_830, %sub3A_855 : vector<1x640xf32>
    %add3A_857 = arith.constant 1.600000e+01 : f32
    %add3A_858 = vector.broadcast %add3A_857 : f32 to vector<1x640xf32>
    %add3A_859 = arith.addf %slice3A_829, %add3A_858 : vector<1x640xf32>
    %add3A_860 = arith.constant 1.600000e+01 : f32
    %add3A_861 = vector.broadcast %add3A_860 : f32 to vector<1x640xf32>
    %add3A_862 = arith.addf %slice3A_830, %add3A_861 : vector<1x640xf32>
    %gt3A_863 = arith.constant 0.000000e+00 : f32
    %gt3A_864 = vector.broadcast %gt3A_863 : f32 to vector<1x640xf32>
    %gt3A_865 = arith.cmpf ogt, %sub3A_853, %gt3A_864 : vector<1x640xf32>
    %lt3A_866 = arith.constant 8.000000e+02 : f32
    %lt3A_867 = vector.broadcast %lt3A_866 : f32 to vector<1x640xf32>
    %lt3A_868 = arith.cmpf olt, %sub3A_853, %lt3A_867 : vector<1x640xf32>
    %and3A_869 = arith.andi %gt3A_865, %lt3A_868 : vector<1x640xi1>
    %ge3A_870 = arith.constant 0.000000e+00 : f32
    %ge3A_871 = vector.broadcast %ge3A_870 : f32 to vector<1x640xf32>
    %ge3A_872 = arith.cmpf oge, %sub3A_856, %ge3A_871 : vector<1x640xf32>
    %and3A_873 = arith.andi %and3A_869, %ge3A_872 : vector<1x640xi1>
    %lt3A_874 = arith.constant 3.200000e+02 : f32
    %lt3A_875 = vector.broadcast %lt3A_874 : f32 to vector<1x640xf32>
    %lt3A_876 = arith.cmpf olt, %sub3A_856, %lt3A_875 : vector<1x640xf32>
    %and3A_877 = arith.andi %and3A_873, %lt3A_876 : vector<1x640xi1>
    %ge3A_878 = arith.constant 0.000000e+00 : f32
    %ge3A_879 = vector.broadcast %ge3A_878 : f32 to vector<1x640xf32>
    %ge3A_880 = arith.cmpf oge, %add3A_859, %ge3A_879 : vector<1x640xf32>
    %and3A_881 = arith.andi %and3A_877, %ge3A_880 : vector<1x640xi1>
    %lt3A_882 = arith.constant 8.000000e+02 : f32
    %lt3A_883 = vector.broadcast %lt3A_882 : f32 to vector<1x640xf32>
    %lt3A_884 = arith.cmpf olt, %add3A_859, %lt3A_883 : vector<1x640xf32>
    %and3A_885 = arith.andi %and3A_881, %lt3A_884 : vector<1x640xi1>
    %ge3A_886 = arith.constant 0.000000e+00 : f32
    %ge3A_887 = vector.broadcast %ge3A_886 : f32 to vector<1x640xf32>
    %ge3A_888 = arith.cmpf oge, %add3A_862, %ge3A_887 : vector<1x640xf32>
    %and3A_889 = arith.andi %and3A_885, %ge3A_888 : vector<1x640xi1>
    %lt3A_890 = arith.constant 3.200000e+02 : f32
    %lt3A_891 = vector.broadcast %lt3A_890 : f32 to vector<1x640xf32>
    %lt3A_892 = arith.cmpf olt, %add3A_862, %lt3A_891 : vector<1x640xf32>
    %and3A_893 = arith.andi %and3A_889, %lt3A_892 : vector<1x640xi1>
    %lt3A_894 = arith.constant 16899.998 : f32
    %lt3A_895 = vector.broadcast %lt3A_894 : f32 to vector<1x640xf32>
    %lt3A_896 = arith.cmpf olt, %add3A_850, %lt3A_895 : vector<1x640xf32>
    %and3A_897 = arith.andi %and3A_893, %lt3A_896 : vector<1x640xi1>
    %gt3A_898 = arith.constant 5.120000e+02 : f32
    %gt3A_899 = vector.broadcast %gt3A_898 : f32 to vector<1x640xf32>
    %gt3A_900 = arith.cmpf ogt, %add3A_850, %gt3A_899 : vector<1x640xf32>
    %and3A_901 = arith.andi %and3A_897, %gt3A_900 : vector<1x640xi1>
    %convert_element_type3A_902 = arith.extui %and3A_901 : vector<1x640xi1> to vector<1x640xi32>
    %convert_element_type3A_903 = arith.sitofp %convert_element_type3A_902 : vector<1x640xi32> to vector<1x640xf32>
    %swap3A_904 = arith.constant 5 : index
    %swap3A_905 = arith.constant 0 : index
    %swap3A_906 = vector.load %arg7[%swap3A_904, %swap3A_905] : memref<8x640xf32, #tpu.memory_space<vmem>>, vector<1x640xf32>
    tpu.vector_store %arg7[%swap3A_904, %swap3A_905], %convert_element_type3A_903 {strides = array<i32>} : memref<8x640xf32, #tpu.memory_space<vmem>>, vector<1x640xf32>,
    %div3A_907 = arith.constant 8.000000e+00 : f32
    %div3A_908 = vector.broadcast %div3A_907 : f32 to vector<1x640xf32>
    %div3A_909 = arith.divf %slice3A_829, %div3A_908 : vector<1x640xf32>
    %floor3A_910 = math.floor %div3A_909 : vector<1x640xf32>
    %jit3A_911 = arith.constant 0 : i32
    %jit3A_912 = arith.constant 99 : i32
    %convert_element_type3A_913 = arith.sitofp %jit3A_911 : i32 to f32
    %max3A_914 = vector.broadcast %convert_element_type3A_913 : f32 to vector<1x640xf32>
    %max3A_915 = arith.maximumf %max3A_914, %floor3A_910 : vector<1x640xf32>
    %convert_element_type3A_916 = arith.sitofp %jit3A_912 : i32 to f32
    %min3A_917 = vector.broadcast %convert_element_type3A_916 : f32 to vector<1x640xf32>
    %min3A_918 = arith.minimumf %min3A_917, %max3A_915 : vector<1x640xf32>
    %convert_element_type3A_919 = arith.fptosi %min3A_918 : vector<1x640xf32> to vector<1x640xi32>
    %div3A_920 = arith.constant 8.000000e+00 : f32
    %div3A_921 = vector.broadcast %div3A_920 : f32 to vector<1x640xf32>
    %div3A_922 = arith.divf %slice3A_830, %div3A_921 : vector<1x640xf32>
    %floor3A_923 = math.floor %div3A_922 : vector<1x640xf32>
    %jit3A_924 = arith.constant 0 : i32
    %jit3A_925 = arith.constant 39 : i32
    %convert_element_type3A_926 = arith.sitofp %jit3A_924 : i32 to f32
    %max3A_927 = vector.broadcast %convert_element_type3A_926 : f32 to vector<1x640xf32>
    %max3A_928 = arith.maximumf %max3A_927, %floor3A_923 : vector<1x640xf32>
    %convert_element_type3A_929 = arith.sitofp %jit3A_925 : i32 to f32
    %min3A_930 = vector.broadcast %convert_element_type3A_929 : f32 to vector<1x640xf32>
    %min3A_931 = arith.minimumf %min3A_930, %max3A_928 : vector<1x640xf32>
    %convert_element_type3A_932 = arith.fptosi %min3A_931 : vector<1x640xf32> to vector<1x640xi32>
    %mul3A_933 = arith.constant 100 : i32
    %mul3A_934 = vector.broadcast %mul3A_933 : i32 to vector<1x640xi32>
    %mul3A_935 = arith.muli %convert_element_type3A_932, %mul3A_934 : vector<1x640xi32>
    %add3A_936 = arith.addi %mul3A_935, %convert_element_type3A_919 : vector<1x640xi32>
    %swap3A_937 = arith.constant 5 : index
    %swap3A_938 = arith.constant 0 : index
    %swap3A_939 = vector.load %arg8[%swap3A_937, %swap3A_938] : memref<8x640xi32, #tpu.memory_space<vmem>>, vector<1x640xi32>
    tpu.vector_store %arg8[%swap3A_937, %swap3A_938], %add3A_936 {strides = array<i32>} : memref<8x640xi32, #tpu.memory_space<vmem>>, vector<1x640xi32>,
    %slice3A_940 = vector.extract_strided_slice %mul3A_6 {offsets = [0, 3840], sizes = [1, 640], strides = [1, 1]} : vector<1x5120xf32> to vector<1x640xf32>
    %slice3A_941 = vector.extract_strided_slice %mul3A_12 {offsets = [0, 3840], sizes = [1, 640], strides = [1, 1]} : vector<1x5120xf32> to vector<1x640xf32>
    %mul3A_942 = arith.mulf %slice3A_940, %slice3A_940 : vector<1x640xf32>
    %mul3A_943 = arith.mulf %slice3A_941, %slice3A_941 : vector<1x640xf32>
    %add3A_944 = arith.addf %mul3A_942, %mul3A_943 : vector<1x640xf32>
    %add3A_945 = vector.broadcast %add3A_944 : vector<1x640xf32> to vector<360x640xf32>
    %add3A_946 = vector.broadcast %add3A_169 : vector<360x1xf32> to vector<360x640xf32>
    %add3A_947 = arith.addf %add3A_945, %add3A_946 : vector<360x640xf32>
    %slice3A_948 = vector.extract_strided_slice %dot_general3A_280 {offsets = [0, 3840], sizes = [360, 640], strides = [1, 1]} : vector<360x5120xf32> to vector<360x640xf32>
    %mul3A_949 = arith.constant 2.000000e+00 : f32
    %mul3A_950 = vector.broadcast %mul3A_949 : f32 to vector<360x640xf32>
    %mul3A_951 = arith.mulf %mul3A_950, %slice3A_948 : vector<360x640xf32>
    %sub3A_952 = arith.subf %add3A_947, %mul3A_951 : vector<360x640xf32>
    %reduce_min3A_953 = arith.constant dense<0x7F800000> : vector<640xf32>
    %reduce_min3A_954 = vector.multi_reduction <minimumf>, %sub3A_952, %reduce_min3A_953 [0] : vector<360x640xf32> to vector<640xf32>
    %broadcast_in_dim3A_955 = vector.shape_cast %reduce_min3A_954 : vector<640xf32> to vector<1x640xf32>
    %max3A_956 = arith.constant 0.000000e+00 : f32
    %max3A_957 = vector.broadcast %max3A_956 : f32 to vector<1x640xf32>
    %max3A_958 = arith.maximumf %broadcast_in_dim3A_955, %max3A_957 : vector<1x640xf32>
    %add3A_959 = arith.constant 9.99999996E-13 : f32
    %add3A_960 = vector.broadcast %add3A_959 : f32 to vector<1x640xf32>
    %add3A_961 = arith.addf %max3A_958, %add3A_960 : vector<1x640xf32>
    %sub3A_962 = arith.constant 1.600000e+01 : f32
    %sub3A_963 = vector.broadcast %sub3A_962 : f32 to vector<1x640xf32>
    %sub3A_964 = arith.subf %slice3A_940, %sub3A_963 : vector<1x640xf32>
    %sub3A_965 = arith.constant 1.600000e+01 : f32
    %sub3A_966 = vector.broadcast %sub3A_965 : f32 to vector<1x640xf32>
    %sub3A_967 = arith.subf %slice3A_941, %sub3A_966 : vector<1x640xf32>
    %add3A_968 = arith.constant 1.600000e+01 : f32
    %add3A_969 = vector.broadcast %add3A_968 : f32 to vector<1x640xf32>
    %add3A_970 = arith.addf %slice3A_940, %add3A_969 : vector<1x640xf32>
    %add3A_971 = arith.constant 1.600000e+01 : f32
    %add3A_972 = vector.broadcast %add3A_971 : f32 to vector<1x640xf32>
    %add3A_973 = arith.addf %slice3A_941, %add3A_972 : vector<1x640xf32>
    %gt3A_974 = arith.constant 0.000000e+00 : f32
    %gt3A_975 = vector.broadcast %gt3A_974 : f32 to vector<1x640xf32>
    %gt3A_976 = arith.cmpf ogt, %sub3A_964, %gt3A_975 : vector<1x640xf32>
    %lt3A_977 = arith.constant 8.000000e+02 : f32
    %lt3A_978 = vector.broadcast %lt3A_977 : f32 to vector<1x640xf32>
    %lt3A_979 = arith.cmpf olt, %sub3A_964, %lt3A_978 : vector<1x640xf32>
    %and3A_980 = arith.andi %gt3A_976, %lt3A_979 : vector<1x640xi1>
    %ge3A_981 = arith.constant 0.000000e+00 : f32
    %ge3A_982 = vector.broadcast %ge3A_981 : f32 to vector<1x640xf32>
    %ge3A_983 = arith.cmpf oge, %sub3A_967, %ge3A_982 : vector<1x640xf32>
    %and3A_984 = arith.andi %and3A_980, %ge3A_983 : vector<1x640xi1>
    %lt3A_985 = arith.constant 3.200000e+02 : f32
    %lt3A_986 = vector.broadcast %lt3A_985 : f32 to vector<1x640xf32>
    %lt3A_987 = arith.cmpf olt, %sub3A_967, %lt3A_986 : vector<1x640xf32>
    %and3A_988 = arith.andi %and3A_984, %lt3A_987 : vector<1x640xi1>
    %ge3A_989 = arith.constant 0.000000e+00 : f32
    %ge3A_990 = vector.broadcast %ge3A_989 : f32 to vector<1x640xf32>
    %ge3A_991 = arith.cmpf oge, %add3A_970, %ge3A_990 : vector<1x640xf32>
    %and3A_992 = arith.andi %and3A_988, %ge3A_991 : vector<1x640xi1>
    %lt3A_993 = arith.constant 8.000000e+02 : f32
    %lt3A_994 = vector.broadcast %lt3A_993 : f32 to vector<1x640xf32>
    %lt3A_995 = arith.cmpf olt, %add3A_970, %lt3A_994 : vector<1x640xf32>
    %and3A_996 = arith.andi %and3A_992, %lt3A_995 : vector<1x640xi1>
    %ge3A_997 = arith.constant 0.000000e+00 : f32
    %ge3A_998 = vector.broadcast %ge3A_997 : f32 to vector<1x640xf32>
    %ge3A_999 = arith.cmpf oge, %add3A_973, %ge3A_998 : vector<1x640xf32>
    %and3A_1000 = arith.andi %and3A_996, %ge3A_999 : vector<1x640xi1>
    %lt3A_1001 = arith.constant 3.200000e+02 : f32
    %lt3A_1002 = vector.broadcast %lt3A_1001 : f32 to vector<1x640xf32>
    %lt3A_1003 = arith.cmpf olt, %add3A_973, %lt3A_1002 : vector<1x640xf32>
    %and3A_1004 = arith.andi %and3A_1000, %lt3A_1003 : vector<1x640xi1>
    %lt3A_1005 = arith.constant 16899.998 : f32
    %lt3A_1006 = vector.broadcast %lt3A_1005 : f32 to vector<1x640xf32>
    %lt3A_1007 = arith.cmpf olt, %add3A_961, %lt3A_1006 : vector<1x640xf32>
    %and3A_1008 = arith.andi %and3A_1004, %lt3A_1007 : vector<1x640xi1>
    %gt3A_1009 = arith.constant 5.120000e+02 : f32
    %gt3A_1010 = vector.broadcast %gt3A_1009 : f32 to vector<1x640xf32>
    %gt3A_1011 = arith.cmpf ogt, %add3A_961, %gt3A_1010 : vector<1x640xf32>
    %and3A_1012 = arith.andi %and3A_1008, %gt3A_1011 : vector<1x640xi1>
    %convert_element_type3A_1013 = arith.extui %and3A_1012 : vector<1x640xi1> to vector<1x640xi32>
    %convert_element_type3A_1014 = arith.sitofp %convert_element_type3A_1013 : vector<1x640xi32> to vector<1x640xf32>
    %swap3A_1015 = arith.constant 6 : index
    %swap3A_1016 = arith.constant 0 : index
    %swap3A_1017 = vector.load %arg7[%swap3A_1015, %swap3A_1016] : memref<8x640xf32, #tpu.memory_space<vmem>>, vector<1x640xf32>
    tpu.vector_store %arg7[%swap3A_1015, %swap3A_1016], %convert_element_type3A_1014 {strides = array<i32>} : memref<8x640xf32, #tpu.memory_space<vmem>>, vector<1x640xf32>,
    %div3A_1018 = arith.constant 8.000000e+00 : f32
    %div3A_1019 = vector.broadcast %div3A_1018 : f32 to vector<1x640xf32>
    %div3A_1020 = arith.divf %slice3A_940, %div3A_1019 : vector<1x640xf32>
    %floor3A_1021 = math.floor %div3A_1020 : vector<1x640xf32>
    %jit3A_1022 = arith.constant 0 : i32
    %jit3A_1023 = arith.constant 99 : i32
    %convert_element_type3A_1024 = arith.sitofp %jit3A_1022 : i32 to f32
    %max3A_1025 = vector.broadcast %convert_element_type3A_1024 : f32 to vector<1x640xf32>
    %max3A_1026 = arith.maximumf %max3A_1025, %floor3A_1021 : vector<1x640xf32>
    %convert_element_type3A_1027 = arith.sitofp %jit3A_1023 : i32 to f32
    %min3A_1028 = vector.broadcast %convert_element_type3A_1027 : f32 to vector<1x640xf32>
    %min3A_1029 = arith.minimumf %min3A_1028, %max3A_1026 : vector<1x640xf32>
    %convert_element_type3A_1030 = arith.fptosi %min3A_1029 : vector<1x640xf32> to vector<1x640xi32>
    %div3A_1031 = arith.constant 8.000000e+00 : f32
    %div3A_1032 = vector.broadcast %div3A_1031 : f32 to vector<1x640xf32>
    %div3A_1033 = arith.divf %slice3A_941, %div3A_1032 : vector<1x640xf32>
    %floor3A_1034 = math.floor %div3A_1033 : vector<1x640xf32>
    %jit3A_1035 = arith.constant 0 : i32
    %jit3A_1036 = arith.constant 39 : i32
    %convert_element_type3A_1037 = arith.sitofp %jit3A_1035 : i32 to f32
    %max3A_1038 = vector.broadcast %convert_element_type3A_1037 : f32 to vector<1x640xf32>
    %max3A_1039 = arith.maximumf %max3A_1038, %floor3A_1034 : vector<1x640xf32>
    %convert_element_type3A_1040 = arith.sitofp %jit3A_1036 : i32 to f32
    %min3A_1041 = vector.broadcast %convert_element_type3A_1040 : f32 to vector<1x640xf32>
    %min3A_1042 = arith.minimumf %min3A_1041, %max3A_1039 : vector<1x640xf32>
    %convert_element_type3A_1043 = arith.fptosi %min3A_1042 : vector<1x640xf32> to vector<1x640xi32>
    %mul3A_1044 = arith.constant 100 : i32
    %mul3A_1045 = vector.broadcast %mul3A_1044 : i32 to vector<1x640xi32>
    %mul3A_1046 = arith.muli %convert_element_type3A_1043, %mul3A_1045 : vector<1x640xi32>
    %add3A_1047 = arith.addi %mul3A_1046, %convert_element_type3A_1030 : vector<1x640xi32>
    %swap3A_1048 = arith.constant 6 : index
    %swap3A_1049 = arith.constant 0 : index
    %swap3A_1050 = vector.load %arg8[%swap3A_1048, %swap3A_1049] : memref<8x640xi32, #tpu.memory_space<vmem>>, vector<1x640xi32>
    tpu.vector_store %arg8[%swap3A_1048, %swap3A_1049], %add3A_1047 {strides = array<i32>} : memref<8x640xi32, #tpu.memory_space<vmem>>, vector<1x640xi32>,
    %slice3A_1051 = vector.extract_strided_slice %mul3A_6 {offsets = [0, 4480], sizes = [1, 640], strides = [1, 1]} : vector<1x5120xf32> to vector<1x640xf32>
    %slice3A_1052 = vector.extract_strided_slice %mul3A_12 {offsets = [0, 4480], sizes = [1, 640], strides = [1, 1]} : vector<1x5120xf32> to vector<1x640xf32>
    %mul3A_1053 = arith.mulf %slice3A_1051, %slice3A_1051 : vector<1x640xf32>
    %mul3A_1054 = arith.mulf %slice3A_1052, %slice3A_1052 : vector<1x640xf32>
    %add3A_1055 = arith.addf %mul3A_1053, %mul3A_1054 : vector<1x640xf32>
    %add3A_1056 = vector.broadcast %add3A_1055 : vector<1x640xf32> to vector<360x640xf32>
    %add3A_1057 = vector.broadcast %add3A_192 : vector<360x1xf32> to vector<360x640xf32>
    %add3A_1058 = arith.addf %add3A_1056, %add3A_1057 : vector<360x640xf32>
    %slice3A_1059 = vector.extract_strided_slice %dot_general3A_280 {offsets = [0, 4480], sizes = [360, 640], strides = [1, 1]} : vector<360x5120xf32> to vector<360x640xf32>
    %mul3A_1060 = arith.constant 2.000000e+00 : f32
    %mul3A_1061 = vector.broadcast %mul3A_1060 : f32 to vector<360x640xf32>
    %mul3A_1062 = arith.mulf %mul3A_1061, %slice3A_1059 : vector<360x640xf32>
    %sub3A_1063 = arith.subf %add3A_1058, %mul3A_1062 : vector<360x640xf32>
    %reduce_min3A_1064 = arith.constant dense<0x7F800000> : vector<640xf32>
    %reduce_min3A_1065 = vector.multi_reduction <minimumf>, %sub3A_1063, %reduce_min3A_1064 [0] : vector<360x640xf32> to vector<640xf32>
    %broadcast_in_dim3A_1066 = vector.shape_cast %reduce_min3A_1065 : vector<640xf32> to vector<1x640xf32>
    %max3A_1067 = arith.constant 0.000000e+00 : f32
    %max3A_1068 = vector.broadcast %max3A_1067 : f32 to vector<1x640xf32>
    %max3A_1069 = arith.maximumf %broadcast_in_dim3A_1066, %max3A_1068 : vector<1x640xf32>
    %add3A_1070 = arith.constant 9.99999996E-13 : f32
    %add3A_1071 = vector.broadcast %add3A_1070 : f32 to vector<1x640xf32>
    %add3A_1072 = arith.addf %max3A_1069, %add3A_1071 : vector<1x640xf32>
    %sub3A_1073 = arith.constant 1.600000e+01 : f32
    %sub3A_1074 = vector.broadcast %sub3A_1073 : f32 to vector<1x640xf32>
    %sub3A_1075 = arith.subf %slice3A_1051, %sub3A_1074 : vector<1x640xf32>
    %sub3A_1076 = arith.constant 1.600000e+01 : f32
    %sub3A_1077 = vector.broadcast %sub3A_1076 : f32 to vector<1x640xf32>
    %sub3A_1078 = arith.subf %slice3A_1052, %sub3A_1077 : vector<1x640xf32>
    %add3A_1079 = arith.constant 1.600000e+01 : f32
    %add3A_1080 = vector.broadcast %add3A_1079 : f32 to vector<1x640xf32>
    %add3A_1081 = arith.addf %slice3A_1051, %add3A_1080 : vector<1x640xf32>
    %add3A_1082 = arith.constant 1.600000e+01 : f32
    %add3A_1083 = vector.broadcast %add3A_1082 : f32 to vector<1x640xf32>
    %add3A_1084 = arith.addf %slice3A_1052, %add3A_1083 : vector<1x640xf32>
    %gt3A_1085 = arith.constant 0.000000e+00 : f32
    %gt3A_1086 = vector.broadcast %gt3A_1085 : f32 to vector<1x640xf32>
    %gt3A_1087 = arith.cmpf ogt, %sub3A_1075, %gt3A_1086 : vector<1x640xf32>
    %lt3A_1088 = arith.constant 8.000000e+02 : f32
    %lt3A_1089 = vector.broadcast %lt3A_1088 : f32 to vector<1x640xf32>
    %lt3A_1090 = arith.cmpf olt, %sub3A_1075, %lt3A_1089 : vector<1x640xf32>
    %and3A_1091 = arith.andi %gt3A_1087, %lt3A_1090 : vector<1x640xi1>
    %ge3A_1092 = arith.constant 0.000000e+00 : f32
    %ge3A_1093 = vector.broadcast %ge3A_1092 : f32 to vector<1x640xf32>
    %ge3A_1094 = arith.cmpf oge, %sub3A_1078, %ge3A_1093 : vector<1x640xf32>
    %and3A_1095 = arith.andi %and3A_1091, %ge3A_1094 : vector<1x640xi1>
    %lt3A_1096 = arith.constant 3.200000e+02 : f32
    %lt3A_1097 = vector.broadcast %lt3A_1096 : f32 to vector<1x640xf32>
    %lt3A_1098 = arith.cmpf olt, %sub3A_1078, %lt3A_1097 : vector<1x640xf32>
    %and3A_1099 = arith.andi %and3A_1095, %lt3A_1098 : vector<1x640xi1>
    %ge3A_1100 = arith.constant 0.000000e+00 : f32
    %ge3A_1101 = vector.broadcast %ge3A_1100 : f32 to vector<1x640xf32>
    %ge3A_1102 = arith.cmpf oge, %add3A_1081, %ge3A_1101 : vector<1x640xf32>
    %and3A_1103 = arith.andi %and3A_1099, %ge3A_1102 : vector<1x640xi1>
    %lt3A_1104 = arith.constant 8.000000e+02 : f32
    %lt3A_1105 = vector.broadcast %lt3A_1104 : f32 to vector<1x640xf32>
    %lt3A_1106 = arith.cmpf olt, %add3A_1081, %lt3A_1105 : vector<1x640xf32>
    %and3A_1107 = arith.andi %and3A_1103, %lt3A_1106 : vector<1x640xi1>
    %ge3A_1108 = arith.constant 0.000000e+00 : f32
    %ge3A_1109 = vector.broadcast %ge3A_1108 : f32 to vector<1x640xf32>
    %ge3A_1110 = arith.cmpf oge, %add3A_1084, %ge3A_1109 : vector<1x640xf32>
    %and3A_1111 = arith.andi %and3A_1107, %ge3A_1110 : vector<1x640xi1>
    %lt3A_1112 = arith.constant 3.200000e+02 : f32
    %lt3A_1113 = vector.broadcast %lt3A_1112 : f32 to vector<1x640xf32>
    %lt3A_1114 = arith.cmpf olt, %add3A_1084, %lt3A_1113 : vector<1x640xf32>
    %and3A_1115 = arith.andi %and3A_1111, %lt3A_1114 : vector<1x640xi1>
    %lt3A_1116 = arith.constant 16899.998 : f32
    %lt3A_1117 = vector.broadcast %lt3A_1116 : f32 to vector<1x640xf32>
    %lt3A_1118 = arith.cmpf olt, %add3A_1072, %lt3A_1117 : vector<1x640xf32>
    %and3A_1119 = arith.andi %and3A_1115, %lt3A_1118 : vector<1x640xi1>
    %gt3A_1120 = arith.constant 5.120000e+02 : f32
    %gt3A_1121 = vector.broadcast %gt3A_1120 : f32 to vector<1x640xf32>
    %gt3A_1122 = arith.cmpf ogt, %add3A_1072, %gt3A_1121 : vector<1x640xf32>
    %and3A_1123 = arith.andi %and3A_1119, %gt3A_1122 : vector<1x640xi1>
    %convert_element_type3A_1124 = arith.extui %and3A_1123 : vector<1x640xi1> to vector<1x640xi32>
    %convert_element_type3A_1125 = arith.sitofp %convert_element_type3A_1124 : vector<1x640xi32> to vector<1x640xf32>
    %swap3A_1126 = arith.constant 7 : index
    %swap3A_1127 = arith.constant 0 : index
    %swap3A_1128 = vector.load %arg7[%swap3A_1126, %swap3A_1127] : memref<8x640xf32, #tpu.memory_space<vmem>>, vector<1x640xf32>
    tpu.vector_store %arg7[%swap3A_1126, %swap3A_1127], %convert_element_type3A_1125 {strides = array<i32>} : memref<8x640xf32, #tpu.memory_space<vmem>>, vector<1x640xf32>,
    %div3A_1129 = arith.constant 8.000000e+00 : f32
    %div3A_1130 = vector.broadcast %div3A_1129 : f32 to vector<1x640xf32>
    %div3A_1131 = arith.divf %slice3A_1051, %div3A_1130 : vector<1x640xf32>
    %floor3A_1132 = math.floor %div3A_1131 : vector<1x640xf32>
    %jit3A_1133 = arith.constant 0 : i32
    %jit3A_1134 = arith.constant 99 : i32
    %convert_element_type3A_1135 = arith.sitofp %jit3A_1133 : i32 to f32
    %max3A_1136 = vector.broadcast %convert_element_type3A_1135 : f32 to vector<1x640xf32>
    %max3A_1137 = arith.maximumf %max3A_1136, %floor3A_1132 : vector<1x640xf32>
    %convert_element_type3A_1138 = arith.sitofp %jit3A_1134 : i32 to f32
    %min3A_1139 = vector.broadcast %convert_element_type3A_1138 : f32 to vector<1x640xf32>
    %min3A_1140 = arith.minimumf %min3A_1139, %max3A_1137 : vector<1x640xf32>
    %convert_element_type3A_1141 = arith.fptosi %min3A_1140 : vector<1x640xf32> to vector<1x640xi32>
    %div3A_1142 = arith.constant 8.000000e+00 : f32
    %div3A_1143 = vector.broadcast %div3A_1142 : f32 to vector<1x640xf32>
    %div3A_1144 = arith.divf %slice3A_1052, %div3A_1143 : vector<1x640xf32>
    %floor3A_1145 = math.floor %div3A_1144 : vector<1x640xf32>
    %jit3A_1146 = arith.constant 0 : i32
    %jit3A_1147 = arith.constant 39 : i32
    %convert_element_type3A_1148 = arith.sitofp %jit3A_1146 : i32 to f32
    %max3A_1149 = vector.broadcast %convert_element_type3A_1148 : f32 to vector<1x640xf32>
    %max3A_1150 = arith.maximumf %max3A_1149, %floor3A_1145 : vector<1x640xf32>
    %convert_element_type3A_1151 = arith.sitofp %jit3A_1147 : i32 to f32
    %min3A_1152 = vector.broadcast %convert_element_type3A_1151 : f32 to vector<1x640xf32>
    %min3A_1153 = arith.minimumf %min3A_1152, %max3A_1150 : vector<1x640xf32>
    %convert_element_type3A_1154 = arith.fptosi %min3A_1153 : vector<1x640xf32> to vector<1x640xi32>
    %mul3A_1155 = arith.constant 100 : i32
    %mul3A_1156 = vector.broadcast %mul3A_1155 : i32 to vector<1x640xi32>
    %mul3A_1157 = arith.muli %convert_element_type3A_1154, %mul3A_1156 : vector<1x640xi32>
    %add3A_1158 = arith.addi %mul3A_1157, %convert_element_type3A_1141 : vector<1x640xi32>
    %swap3A_1159 = arith.constant 7 : index
    %swap3A_1160 = arith.constant 0 : index
    %swap3A_1161 = vector.load %arg8[%swap3A_1159, %swap3A_1160] : memref<8x640xi32, #tpu.memory_space<vmem>>, vector<1x640xi32>
    tpu.vector_store %arg8[%swap3A_1159, %swap3A_1160], %add3A_1158 {strides = array<i32>} : memref<8x640xi32, #tpu.memory_space<vmem>>, vector<1x640xi32>,
    %get3A_1162 = arith.constant 0 : index
    %get3A_1163 = arith.constant 0 : index
    %get3A_1164 = vector.load %arg5[%get3A_1162, %get3A_1163] : memref<2x128xf32, #tpu.memory_space<vmem>>, vector<2x128xf32>
    %get3A_1165 = arith.constant 0 : index
    %get3A_1166 = arith.constant 0 : index
    %get3A_1167 = vector.load %arg4[%get3A_1165, %get3A_1166] : memref<128x4000xf32, #tpu.memory_space<vmem>>, vector<128x4000xf32>
    %dot_general3A_1168 = arith.constant dense<0.000000e+00> : vector<2x4000xf32>
    %dot_general3A_1169 = tpu.matmul %get3A_1164, %get3A_1167, %dot_general3A_1168 {dimension_numbers = #tpu.dot_dimension_numbers<[1], [0], [0], [1], [0, 0, 1, 1], [], []>, transpose_lhs_hint = false} : vector<2x128xf32>, vector<128x4000xf32>, vector<2x4000xf32> -> vector<2x4000xf32>
    %slice3A_1170 = vector.extract_strided_slice %dot_general3A_1169 {offsets = [0, 0], sizes = [1, 4000], strides = [1, 1]} : vector<2x4000xf32> to vector<1x4000xf32>
    %get3A_1171 = arith.constant 0 : index
    %get3A_1172 = arith.constant 0 : index
    %get3A_1173 = vector.load %arg6[%get3A_1171, %get3A_1172] : memref<2x1xf32, #tpu.memory_space<vmem>>, vector<1x1xf32>
    %add3A_1174 = vector.broadcast %get3A_1173 : vector<1x1xf32> to vector<1x4000xf32>
    %add3A_1175 = arith.addf %slice3A_1170, %add3A_1174 : vector<1x4000xf32>
    %slice3A_1176 = vector.extract_strided_slice %dot_general3A_1169 {offsets = [1, 0], sizes = [1, 4000], strides = [1, 1]} : vector<2x4000xf32> to vector<1x4000xf32>
    %get3A_1177 = arith.constant 1 : index
    %get3A_1178 = arith.constant 0 : index
    %get3A_1179 = vector.load %arg6[%get3A_1177, %get3A_1178] : memref<2x1xf32, #tpu.memory_space<vmem>>, vector<1x1xf32>
    %add3A_1180 = vector.broadcast %get3A_1179 : vector<1x1xf32> to vector<1x4000xf32>
    %add3A_1181 = arith.addf %slice3A_1176, %add3A_1180 : vector<1x4000xf32>
    %max3A_1182 = arith.maximumf %add3A_1175, %add3A_1181 : vector<1x4000xf32>
    %sub3A_1183 = arith.subf %add3A_1175, %max3A_1182 : vector<1x4000xf32>
    %exp3A = math.exp %sub3A_1183 : vector<1x4000xf32>
    %sub3A_1184 = arith.subf %add3A_1181, %max3A_1182 : vector<1x4000xf32>
    %exp3A_1185 = math.exp %sub3A_1184 : vector<1x4000xf32>
    %add3A_1186 = arith.addf %exp3A, %exp3A_1185 : vector<1x4000xf32>
    %log3A = math.log %add3A_1186 : vector<1x4000xf32>
    %add3A_1187 = arith.addf %max3A_1182, %log3A : vector<1x4000xf32>
    %sub3A_1188 = arith.subf %add3A_1187, %add3A_1175 : vector<1x4000xf32>
    %swap3A_1189 = arith.constant 0 : index
    %swap3A_1190 = arith.constant 0 : index
    %swap3A_1191 = vector.load %arg9[%swap3A_1189, %swap3A_1190] : memref<1x4000xf32, #tpu.memory_space<vmem>>, vector<1x4000xf32>
    tpu.vector_store %arg9[%swap3A_1189, %swap3A_1190], %sub3A_1188 {strides = array<i32>} : memref<1x4000xf32, #tpu.memory_space<vmem>>, vector<1x4000xf32>,
    return
  }
}

</mosaic_0001>

<sc_bundles>
// kernel: kernel.4.cloned.1.call-start
scs
__scs_entry_jumppad:
0x0: {  	(pc) =	sbr.rel $0x88, $3  }
0x1: {  	(tag) =	ssettag $0x0;
	lr =	simm.s32 $0x1  }
0x2: {  	[smem:$0x3F9C] =	sst lr;
	_ =	strace $0xD0000000  }
0x3: {  	_ = 	snop  }
0x4: {  	_ = 	snop  }
0x5: {  	_ = 	snop  }
0x6: {  	_ = 	snop  }
0x7: {  	_ = 	snop  }
__scs_overlays_trampoline_lowered:
0x8: {  	[smem:$0x3FAB] =	sst s0  }
0x9: {  	[smem:$0x3FAC] =	sst s1  }
0xa: {  	[smem:$0x3FAD] =	sst s2  }
0xb: {  	[smem:$0x3FAE] =	sst s3  }
0xc: {  	[smem:$0x3FAF] =	sst s4  }
0xd: {  	[smem:$0x3FB0] =	sst s5  }
0xe: {  	[smem:$0x3FB1] =	sst s6  }
0xf: {  	[smem:$0x3FB2] =	sst s7  }
0x10: {  	[smem:$0x3FB3] =	sst s8  }
0x11: {  	[smem:$0x3FB4] =	sst s9;
	s0 =	simm.s32 @!p0 $0x0  }
0x12: {  	s1 =	sld [smem:$0x3F9A];
	s0 =	simm.s32 @p0 $0x1  }
0x13: {  	[smem:$0x3FB5] =	sst s0;
	s0 =	simm.s32 @!p1 $0x0  }
0x14: {  	s2 =	sld [smem:$0x3F99];
	s0 =	simm.s32 @p1 $0x1  }
0x15: {  	[smem:$0x3FB6] =	sst s0;
	s0 =	simm.s32 @!p2 $0x0  }
0x16: {  	s3 =	sld [smem:$0x3FDB];
	s0 =	simm.s32 @p2 $0x1  }
0x17: {  	s4 =	simm.s32 $0x1BF5;
	[smem:$0x3FB8] =	sst s0  }
0x18: {  	s0 =	sld [smem:$0x3F9B];
	_ =	swait.ge [sflag:s4], $0x0  }
0x19: {  	s7 =	sld [smem:$0x3F9C]  }
0x1a: {  	s8 =	sadd.s32 $0xFFFFE003, lr  }
0x1b: {  	s9 =	sadd.s32 $0xFFFFFEF7, lr;
	s5 =	simm.s32 $0xFFFFFFFF;
	p2 =	slt.u32 s8, $0xFFFFF086  }
0x1c: {  	p1 =	slt.u32 s9, $0xF7A;
	s5 =	simm.s32 @!p2 $0x0  }
0x1d: {  	s5 =	simm.s32 @p1 $0x1;
	p0 =	seq.s32 s7, s2  }
0x1e: {  	s7 =	smul.u32 @!p0 $0xF7A, s2;
	p2 =	seq.s32 @!p0 s5, $0x0  }
0x1f: {  	s9 =	smul.u32 $0xF7A, s1;
	s8 =	simm.s32 @!p0 $0x1BF5;
	p2 =	por !p2, p0  }
0x20: {  	[sflag:s8] =	ssyncset.s32 @!p0 $0xFFFFF086;
	s6 =	sadd.s32 @!p0 s3, s7;
	s7 =	simm.s32 @!p0 $0x108  }
0x21: {  	s3 =	sadd.s32 s3, s9;
	s6 =	sadd.s32 @!p0 $0x88, s6;
	s7 =	simm.s32 @p2 $0x1082  }
0x22: {  	[simem:s7], [sflag:s8] =	dma.local @!p0 [hbm:s6], $0xF7A  }
0x23: {  	s9 =	sor.u32 $0xD0000000, s2;
	s6 =	simm.s32 $0x108;
	_ =	swait.ge @!p0 [sflag:s8], $0x0  }
0x24: {  	s3 =	sadd.s32 $0x88, s3;
	s6 =	simm.s32 @!p1 $0x1082;
	[sflag:s4] =	ssyncset.s32 $0xFFFFF086  }
0x25: {  	[simem:s6], [sflag:s4] =	dma.local [hbm:s3], $0xF7A  }
0x26: {  	[smem:$0x3F9C] =	sst s1;
	(tag) =	ssettag s2;
	_ =	strace s9  }
0x27: {  	s1 =	sld [smem:$0x3FAC]  }
0x28: {  	s2 =	sld [smem:$0x3FAD]  }
0x29: {  	s4 =	sld [smem:$0x3FAF]  }
0x2a: {  	p0 =	seq.s32 s5, $0x0;
	s5 =	sld [smem:$0x3FB0]  }
0x2b: {  	s6 =	sld [smem:$0x3FB1]  }
0x2c: {  	s7 =	sld [smem:$0x3FB2]  }
0x2d: {  	s3 =	simm.s32 $0x108;
	s8 =	sld [smem:$0x3FB3]  }
0x2e: {  	s3 =	simm.s32 @!p0 $0x1082;
	s9 =	sld [smem:$0x3FB4]  }
0x2f: {  	lr =	sadd.s32 s0, s3;
	s0 =	sld [smem:$0x3FAB]  }
0x30: {  	s3 =	sld [smem:$0x3FAE]  }
0x31: {  	[smem:$0x3FB7] =	sst s10  }
0x32: {  	s10 =	sld [smem:$0x3FB5];
	_ =	sdelay $0x3  }
0x33: {  	p0 =	seq.s32 s10, $0x1;
	s10 =	sld [smem:$0x3FB7];
	_ =	sdelay $0x3  }
0x34: {  	[smem:$0x3FB7] =	sst s10  }
0x35: {  	s10 =	sld [smem:$0x3FB6];
	_ =	sdelay $0x3  }
0x36: {  	p1 =	seq.s32 s10, $0x1;
	s10 =	sld [smem:$0x3FB7];
	_ =	sdelay $0x3  }
0x37: {  	[smem:$0x3FB7] =	sst s10  }
0x38: {  	s10 =	sld [smem:$0x3FB8]  }
0x39: {  	_ = 	snop;
	(pc) =	sbr.ind lr, $3  }
0x3a: {  	_ = 	snop  }
0x3b: {  	_ = 	snop  }
0x3c: {  	p2 =	seq.s32 s10, $0x1;
	s10 =	sld [smem:$0x3FB7]  }
0x3d: {  	_ =	shalt  }
0x3e: {  	_ =	shalt  }
0x3f: {  	_ =	shalt  }
0x40: {  	_ =	shalt  }
0x41: {  	_ =	shalt  }
0x42: {  	_ =	shalt  }
0x43: {  	_ =	shalt  }
0x44: {  	_ =	shalt  }
0x45: {  	_ =	shalt  }
0x46: {  	_ =	shalt  }
0x47: {  	_ =	shalt  }
0x48: {  	_ =	shalt  }
0x49: {  	_ =	shalt  }
0x4a: {  	_ =	shalt  }
0x4b: {  	_ =	shalt  }
0x4c: {  	_ =	shalt  }
0x4d: {  	_ =	shalt  }
0x4e: {  	_ =	shalt  }
0x4f: {  	_ =	shalt  }
0x50: {  	_ =	shalt  }
0x51: {  	_ =	shalt  }
0x52: {  	_ =	shalt  }
0x53: {  	_ =	shalt  }
0x54: {  	_ =	shalt  }
0x55: {  	_ =	shalt  }
0x56: {  	_ =	shalt  }
0x57: {  	_ =	shalt  }
0x58: {  	_ =	shalt  }
0x59: {  	_ =	shalt  }
0x5a: {  	_ =	shalt  }
0x5b: {  	_ =	shalt  }
0x5c: {  	_ =	shalt  }
0x5d: {  	_ =	shalt  }
0x5e: {  	_ =	shalt  }
0x5f: {  	_ =	shalt  }
0x60: {  	_ =	shalt  }
0x61: {  	_ =	shalt  }
0x62: {  	_ =	shalt  }
0x63: {  	_ =	shalt  }
0x64: {  	_ =	shalt  }
0x65: {  	_ =	shalt  }
0x66: {  	_ =	shalt  }
0x67: {  	_ =	shalt  }
0x68: {  	_ =	shalt  }
0x69: {  	_ =	shalt  }
0x6a: {  	_ =	shalt  }
0x6b: {  	_ =	shalt  }
0x6c: {  	_ =	shalt  }
0x6d: {  	_ =	shalt  }
0x6e: {  	_ =	shalt  }
0x6f: {  	_ =	shalt  }
0x70: {  	_ =	shalt  }
0x71: {  	_ =	shalt  }
0x72: {  	_ =	shalt  }
0x73: {  	_ =	shalt  }
0x74: {  	_ =	shalt  }
0x75: {  	_ =	shalt  }
0x76: {  	_ =	shalt  }
0x77: {  	_ =	shalt  }
0x78: {  	_ =	shalt  }
0x79: {  	_ =	shalt  }
0x7a: {  	_ =	shalt  }
0x7b: {  	_ =	shalt  }
0x7c: {  	_ =	shalt  }
0x7d: {  	_ =	shalt  }
0x7e: {  	_ =	shalt  }
0x7f: {  	_ =	shalt  }
0x80: {  	_ =	shalt  }
0x81: {  	_ =	shalt  }
0x82: {  	_ =	shalt  }
0x83: {  	_ =	shalt  }
0x84: {  	_ =	shalt  }
0x85: {  	_ =	shalt  }
0x86: {  	_ =	shalt  }
0x87: {  	_ =	shalt  }
.Lfunc_end0:
.L_simem_size_0:
called_computation_lowered:
.L_overlay_start_0:
0x88: {  	s0 =	sld [smem:$0x3FD9]  }
0x89: {  	s1 =	sld [smem:$0x3FFE];
	_ =	sdelay $0x3  }
0x8a: {  	s0 =	sadd.s32 s1, s0  }
0x8b: {  	[smem:$0x3FC3] =	sst s0  }
0x8c: {  	_ = 	snop  }
0x8d: {  	(tm) =	ssettm $0x1  }
0x8e: {  	s15 =	sld [smem:$0x3FFB];
	_ =	sdelay $0x3  }
0x8f: {  	_ =	strace s15  }
0x90: {  	s0 =	sld [smem:$0x3FFC];
	_ =	sdelay $0x3  }
0x91: {  	_ =	strace s0  }
0x92: {  	s0 =	sld [smem:$0x3FFD];
	_ =	sdelay $0x3  }
0x93: {  	_ =	strace s0  }
0x94: {  	_ =	strace $0x8FFFFFFF  }
0x95: {  	s16 =	sld [smem:$0x3FDB];
	_ =	sdelay $0x1  }
0x96: {  	s17 =	simm.s32 $_scs_section_size  }
0x97: {  	s2 =	simm.s32 $_size__tile_overlayer_lowered;
	s3 =	simm.s32 $_tile_overlayer_lowered  }
0x98: {  	s20 =	simm.s32 $0x1BFF;
	s19 =	sshll.u32 s3, $0x1;
	s0 =	sadd.s32 s17, s16  }
0x99: {  	s4 =	simm.s32 $0x0;
	s18 =	sshll.u32 s2, $0x1;
	s2 =	sadd.s32 s19, s0  }
0x9a: {  	[timem:s4], [sflag:s20] =	dma.local [hbm:s2], s18  }
0x9b: {  	_ =	swait.ge [sflag:s20], s18  }
0x9c: {  	s1 =	ssub.s32 $0x0, s18;
	[sflag:s20] =	ssyncset.done $0x0  }
0x9d: {  	[sflag:s20] =	ssyncadd.s32 s1;
	_ =	sdelay $0x1  }
0x9e: {  	s21 =	simm.s32 $0x1B8B  }
0x9f: {  	_ =	swait.ge [sflag:s21], $0x1  }
0xa0: {  	[sflag:s21] =	ssyncset.done $0x0  }
0xa1: {  	s23 =	simm.s32 $0x1B8E;
	s22 =	sld [smem:$0x3FFE];
	[sflag:s21] =	ssyncadd.s32 $0xFFFFFFFF  }
0xa2: {  	s24 =	simm.s32 $execute0_lowered;
	[smem:$0x3FD2] =	sst s23  }
0xa3: {  	s2 =	sshll.u32 s24, $0x1;
	_ =	strace $0x80000046;
	[dreg:$0x1] =	wrdreg $0xFFFFFFFF  }
0xa4: {  	s25 =	simm.s32 $_size_execute0_lowered;
	s0 =	sadd.s32 s0, s2;
	[dreg:$0x0] =	wrdreg $0x0  }
0xa5: {  	s2 =	sshll.u32 s25, $0x1;
	[dreg:$0x2] =	wrdreg s0  }
0xa6: {  	[dreg:$0x3] =	wrdreg s2  }
0xa7: {  	[dreg:$0x4] =	wrdreg $0xC0  }
0xa8: {  	_ =	task [dreg:s4], $0x5FFFF  }
0xa9: {  	[dreg:$0x1] =	wrdreg $0xFFFFFFFF  }
0xaa: {  	[dreg:$0x0] =	wrdreg $0x60  }
0xab: {  	[dreg:$0x2] =	wrdreg s22  }
0xac: {  	[dreg:$0x3] =	wrdreg $0x9  }
0xad: {  	_ =	task.clear_ibuf [dreg:s4], $0x4FFFF;
	_ =	strace $0x90000046  }
0xae: {  	s26 =	simm.s32 $0x9;
	_ =	strace $0x80000048  }
0xaf: {  	_ =	swait.ge [sflag:s26], $0x1  }
0xb0: {  	[sflag:s26] =	ssyncadd.s32 $0xFFFFFFFF  }
0xb1: {  	_ =	strace $0x90000048  }
0xb2: {  	_ =	sfence  }
0xb3: {  	s28 =	sld [smem:$0x0];
	_ =	sdelay $0x1  }
0xb4: {  	s29 =	srdreg.scid  }
0xb5: {  	s30 =	sshll.u32 s29, $0xD;
	s31 =	sshrl.u32 s29, $0x2  }
0xb6: {  	s1 =	sand.u32 $0x1, s29;
	s2 =	sand.u32 $0x4000, s30;
	s0 =	sadd.s32 s31, s28  }
0xb7: {  	s1 =	sor.u32 s2, s1;
	s0 =	sshll.u32 s0, $0x11  }
0xb8: {  	s0 =	sor.u32 s0, s1  }
0xb9: {  	s0 =	sadd.s32 $0x8F2B, s0  }
0xba: {  	[sflag:s0] =	ssyncadd.remote.s32 $0x1  }
0xbb: {  	_ =	sfence.sel $0xFFFF  }
0xbc: {  	[dreg:$0x0] =	wrdreg $0xFFFFFFFF;
	(pc) =	sbr.abs _section_cstart, $3  }
0xbd: {  	[dreg:$0x1] =	wrdreg $0xFFFFFFFF  }
0xbe: {  	_ =	task.clear_ibuf [dreg:s4], $0x2FFFF;
	_ =	strace $0x9FFFFFFF  }
0xbf: {  	(tm) =	ssettm $0x7FFFFFFF  }
tec
execute0_lowered:
.L_overlay_start_1:
0x0: {  	(tag) =	ssettag $0x1  }
0x1: {  	s4 =	rddreg [dreg:$0x0]  }
0x2: {  	s0 =	rddreg [dreg:$0x1];
	s2 =	simm.s32 $0x0  }
0x3: {  	s1 =	stileid.u32;
	s26 =	simm.s32 $0x1;
	[smem:$0x7FF] =	sst s2  }
0x4: {  	s3 =	sadd.s32 $0xC00, s4;
	s5 =	smul.u32 $0x28, s1;
	_ =	strace $0x80000047  }
0x5: {  	[tilespmem:s2], [sflag:$0x1] =	stream.linear.gather [hbm4b:s3+s2], $0x1000, $0x38;
	[tilespmem:$0x1400] =	vst v63  }
0x6: {  	_ =	swait.ge [sflag:s26], $0x1000  }
0x7: {  	s5 =	sadd.s32 s5, s4;
	[sflag:s26] =	ssyncset.done $0x0  }
0x8: {  	s7 =	simm.s32 $0x1000;
	s6 =	sadd.s32 $0xE00, s5;
	[sflag:s26] =	ssyncadd.s32 $0xFFFFF000  }
0x9: {  	[tilespmem:s7], [sflag:$0x1] =	stream.linear.gather [hbm4b:s6+s2], $0x140, $0x38;
	[tilespmem:$0x1400] =	vst v63  }
0xa: {  	_ =	swait.ge [sflag:s26], $0x140  }
0xb: {  	[sflag:s26] =	ssyncset.done $0x0  }
0xc: {  	s28 =	simm.s32 $0x1180;
	s5 =	sadd.s32 $0x1200, s5;
	[sflag:s26] =	ssyncadd.s32 $0xFFFFFEC0  }
0xd: {  	[tilespmem:s28], [sflag:$0x1] =	stream.linear.gather [hbm4b:s5+s2], $0x140, $0x38;
	[tilespmem:$0x1400] =	vst v63  }
0xe: {  	_ =	swait.ge [sflag:s26], $0x140  }
0xf: {  	[sflag:s26] =	ssyncset.done $0x0  }
0x10: {  	[sflag:s26] =	ssyncadd.s32 $0xFFFFFEC0  }
0x11: {  	v0 =	vld [tilespmem:$0x1000]  }
0x12: {  	v1 =	vld [tilespmem:$0x1010]  }
0x13: {  	v2 =	vld [tilespmem:$0x1020]  }
0x14: {  	v3 =	vld [tilespmem:$0x1180]  }
0x15: {  	v4 =	vld [tilespmem:$0x1030]  }
0x16: {  	v5 =	vld [tilespmem:$0x1190]  }
0x17: {  	v6 =	vld [tilespmem:$0x1040]  }
0x18: {  	v7 =	vld [tilespmem:$0x11A0]  }
0x19: {  	v8 =	vld [tilespmem:$0x1050]  }
0x1a: {  	v9 =	vld [tilespmem:$0x11B0]  }
0x1b: {  	v10 =	vld [tilespmem:$0x1060]  }
0x1c: {  	v11 =	vld [tilespmem:$0x11C0]  }
0x1d: {  	v12 =	vld [tilespmem:$0x1070]  }
0x1e: {  	v13 =	vld [tilespmem:$0x11D0]  }
0x1f: {  	v14 =	vld [tilespmem:$0x1080]  }
0x20: {  	v15 =	vld [tilespmem:$0x11E0]  }
0x21: {  	v16 =	vld [tilespmem:$0x1090]  }
0x22: {  	v17 =	vld [tilespmem:$0x11F0]  }
0x23: {  	v18 =	vld [tilespmem:$0x10A0]  }
0x24: {  	v19 =	vld [tilespmem:$0x1200]  }
0x25: {  	v20 =	vld [tilespmem:$0x10B0]  }
0x26: {  	v0 =	vld.idx.msk [tilespmem:v0+s2+$0x0], $0xffff  }
0x27: {  	v63 =	vld [tilespmem:$0x1210]  }
0x28: {  	v1 =	vld.idx.msk [tilespmem:v1+s2+$0x0], $0xffff  }
0x29: {  	v23 =	vld [tilespmem:$0x10C0]  }
0x2a: {  	v2 =	vld.idx.msk [tilespmem:v2+s2+$0x0], $0xffff  }
0x2b: {  	v24 =	vld [tilespmem:$0x1220];
	v0 =	vmul.f32 v0, v3  }
0x2c: {  	v4 =	vld.idx.msk [tilespmem:v4+s2+$0x0], $0xffff;
	v3 =	vadd.f32 $0.0e+00, v3  }
0x2d: {  	v27 =	vld [tilespmem:$0x10D0];
	v1 =	vmul.f32 v1, v5;
	v0 =	vadd.f32 $0.0e+00, v0  }
0x2e: {  	v6 =	vld.idx.msk [tilespmem:v6+s2+$0x0], $0xffff;
	v3 =	vadd.f32 v5, v3  }
0x2f: {  	v29 =	vld [tilespmem:$0x1230];
	v62 =	vmul.f32 v2, v7;
	v0 =	vadd.f32 v1, v0  }
0x30: {  	v8 =	vld.idx.msk [tilespmem:v8+s2+$0x0], $0xffff;
	v3 =	vadd.f32 v7, v3  }
0x31: {  	v32 =	vld [tilespmem:$0x10E0];
	v22 =	vmul.f32 v4, v9;
	v0 =	vadd.f32 v62, v0  }
0x32: {  	v10 =	vld.idx.msk [tilespmem:v10+s2+$0x0], $0xffff;
	v3 =	vadd.f32 v9, v3  }
0x33: {  	v33 =	vld [tilespmem:$0x1240];
	v25 =	vmul.f32 v6, v11;
	v0 =	vadd.f32 v22, v0  }
0x34: {  	v12 =	vld.idx.msk [tilespmem:v12+s2+$0x0], $0xffff;
	v3 =	vadd.f32 v11, v3  }
0x35: {  	v35 =	vld [tilespmem:$0x1250];
	v28 =	vmul.f32 v8, v13;
	v0 =	vadd.f32 v25, v0  }
0x36: {  	v14 =	vld.idx.msk [tilespmem:v14+s2+$0x0], $0xffff;
	v3 =	vadd.f32 v13, v3  }
0x37: {  	v37 =	vld [tilespmem:$0x10F0];
	v31 =	vmul.f32 v10, v15;
	v0 =	vadd.f32 v28, v0  }
0x38: {  	v21 =	vld.idx.msk [tilespmem:v16+s2+$0x0], $0xffff;
	v3 =	vadd.f32 v15, v3  }
0x39: {  	v39 =	vld [tilespmem:$0x1260];
	v34 =	vmul.f32 v12, v17;
	v0 =	vadd.f32 v31, v0  }
0x3a: {  	v26 =	vld.idx.msk [tilespmem:v18+s2+$0x0], $0xffff;
	v3 =	vadd.f32 v17, v3  }
0x3b: {  	v40 =	vld [tilespmem:$0x1100];
	v36 =	vmul.f32 v14, v19;
	v0 =	vadd.f32 v34, v0  }
0x3c: {  	v30 =	vld.idx.msk [tilespmem:v20+s2+$0x0], $0xffff;
	v3 =	vadd.f32 v19, v3  }
0x3d: {  	v43 =	vld [tilespmem:$0x1110];
	v38 =	vmul.f32 v21, v63;
	v0 =	vadd.f32 v36, v0  }
0x3e: {  	v4 =	vld.idx.msk [tilespmem:v23+s2+$0x0], $0xffff;
	v2 =	vadd.f32 v63, v3  }
0x3f: {  	v45 =	vld [tilespmem:$0x1270];
	v41 =	vmul.f32 v26, v24;
	v0 =	vadd.f32 v38, v0  }
0x40: {  	v9 =	vld.idx.msk [tilespmem:v27+s2+$0x0], $0xffff;
	v2 =	vadd.f32 v24, v2  }
0x41: {  	v46 =	vld [tilespmem:$0x1120];
	v44 =	vmul.f32 v30, v29;
	v0 =	vadd.f32 v41, v0  }
0x42: {  	v42 =	vld.idx.msk [tilespmem:v32+s2+$0x0], $0xffff;
	v2 =	vadd.f32 v29, v2  }
0x43: {  	v49 =	vld [tilespmem:$0x1130];
	v47 =	vmul.f32 v4, v33;
	v0 =	vadd.f32 v44, v0  }
0x44: {  	v48 =	vld.idx.msk [tilespmem:v37+s2+$0x0], $0xffff;
	v2 =	vadd.f32 v33, v2  }
0x45: {  	v51 =	vld [tilespmem:$0x1280];
	v50 =	vmul.f32 v9, v35;
	v0 =	vadd.f32 v47, v0  }
0x46: {  	v52 =	vld.idx.msk [tilespmem:v40+s2+$0x0], $0xffff;
	v2 =	vadd.f32 v35, v2  }
0x47: {  	v54 =	vld [tilespmem:$0x1290];
	v53 =	vmul.f32 v42, v39;
	v0 =	vadd.f32 v50, v0  }
0x48: {  	v3 =	vld.idx.msk [tilespmem:v43+s2+$0x0], $0xffff;
	v2 =	vadd.f32 v39, v2  }
0x49: {  	v56 =	vld [tilespmem:$0x12A0];
	v55 =	vmul.f32 v48, v45;
	v0 =	vadd.f32 v53, v0  }
0x4a: {  	v57 =	vld.idx.msk [tilespmem:v46+s2+$0x0], $0xffff;
	v2 =	vadd.f32 v45, v2  }
0x4b: {  	v59 =	vld [tilespmem:$0x12B0];
	v58 =	vmul.f32 v52, v51;
	v0 =	vadd.f32 v55, v0  }
0x4c: {  	v8 =	vld.idx.msk [tilespmem:v49+s2+$0x0], $0xffff;
	v2 =	vadd.f32 v51, v2  }
0x4d: {  	v60 =	vmul.f32 v3, v54;
	v0 =	vadd.f32 v58, v0  }
0x4e: {  	v2 =	vadd.f32 v54, v2  }
0x4f: {  	v61 =	vmul.f32 v57, v56;
	v0 =	vadd.f32 v60, v0  }
0x50: {  	v2 =	vadd.f32 v56, v2  }
0x51: {  	v62 =	vmul.f32 v8, v59;
	v0 =	vadd.f32 v61, v0  }
0x52: {  	v63 =	vadd.f32 v59, v2  }
0x53: {  	s29 =	sshll.u32 s1, $0x4;
	v0 =	vadd.f32 v62, v0  }
0x54: {  	s4 =	sadd.s32 s29, s4;
	[tilespmem:$0x1380] =	vst v63  }
0x55: {  	s30 =	simm.s32 $0x1300;
	s5 =	sadd.s32 $0x1800, s4;
	[tilespmem:$0x1300] =	vst v0  }
0x56: {  	[hbm4b:s5+s2] =	stream.linear.scatter [tilespmem:s30], [sflag:$0x1], $0x80, $0x38;
	[tilespmem:$0x1400] =	vst v63  }
0x57: {  	_ =	swait.ge [sflag:s26], $0x80  }
0x58: {  	[sflag:s26] =	ssyncset.done $0x0  }
0x59: {  	s31 =	simm.s32 $0x1380;
	s4 =	sadd.s32 $0x1600, s4;
	[sflag:s26] =	ssyncadd.s32 $0xFFFFFF80  }
0x5a: {  	[hbm4b:s4+s2] =	stream.linear.scatter [tilespmem:s31], [sflag:$0x1], $0x80, $0x38;
	[tilespmem:$0x1400] =	vst v63  }
0x5b: {  	_ =	swait.ge [sflag:s26], $0x80  }
0x5c: {  	[sflag:s26] =	ssyncset.done $0x0  }
0x5d: {  	[sflag:s26] =	ssyncadd.s32 $0xFFFFFF80  }
0x5e: {  	_ =	sfence.sel $0x180000  }
0x5f: {  	[bflag:$0x0] =	sbarrier.arrive $0xFFFF  }
0x60: {  	p0 =	sne.s32 s1, $0x0;
	_ =	strace $0x90000047  }
0x61: {  	s0 =	sadd.s32 @!p0 $0x100000, s0;
	[bflag:$0x2] =	sbarrier.arrive $0xFFFF  }
0x62: {  	[sflag:s0] =	ssyncadd.tile.s32 @!p0 $0x1;
	_ =	shalt  }
.Lfunc_end2:
_tile_overlayer_lowered:
.L_overlay_start_2:
0x63: {  	(tag) =	ssettag $0x2  }
0x64: {  	s0 =	rddreg [dreg:$0x0];
	s2 =	stileid.u32  }
0x65: {  	s1 =	rddreg [dreg:$0x1];
	p0 =	sne.s32 s2, $0x0  }
0x66: {  	s3 =	rddreg [dreg:$0x2];
	[bflag:$0x3] =	sbarrier.arrive $0xFFFF;
	s2 =	simm.s32 @!p0 $0x1C01  }
0x67: {  	[timem:s3], [sflag:s2] =	dma.local @!p0 [hbm:s0], s1  }
0x68: {  	s0 =	simm.s32 @!p0 $0x1  }
0x69: {  	_ =	swait.ge @!p0 [sflag:s0], s1  }
0x6a: {  	s1 =	ssub.s32 @!p0 $0x0, s1;
	[sflag:s0] =	ssyncset.done @!p0 $0x0  }
0x6b: {  	[sflag:s0] =	ssyncadd.s32 @!p0 s1  }
0x6c: {  	[bflag:$0x3] =	sbarrier.arrive $0xFFFF  }
0x6d: {  	_ =	shalt  }

</sc_bundles>
